<compile_context>
chip_gen: v7x
topology: tpu7x:2x2x1
jax: 0.10.2.dev20260603
libtpu: 0.0.44.dev20260713+nightly
codegen_flags: <defaults>
</compile_context>

<pallas_src>
import functools

import jax
import jax.numpy as jnp
from jax import lax
from jax.experimental import pallas as pl
from jax.experimental.pallas import tpu as pltpu
from jax.experimental.pallas import tpu_sc as plsc

B = 16384
F = 26
V = 100000
E = 16
H = 32
FE = F * E
EPS = 1e-5

NC = 2
NS = 16
NW = NC * NS
PW = FE // NW
CB = 4096
NCB = B // CB
L = 16

_HIGH = lax.Precision.HIGHEST


def _dot(x, y):
    return lax.dot_general(x, y, (((1,), (0,)), ((), ())), precision=_HIGH)


def _sc_gather(w2t, w1t, idxt):
    mesh = plsc.VectorSubcoreMesh(core_axis_name="c", subcore_axis_name="s")

    @functools.partial(
        pl.kernel,
        out_type=[
            jax.ShapeDtypeStruct((FE, B), jnp.float32),
            jax.ShapeDtypeStruct((F, B), jnp.float32),
        ],
        mesh=mesh,
        compiler_params=pltpu.CompilerParams(needs_layout_passes=False),
        scratch_types=[
            pltpu.VMEM((V,), jnp.float32),
            pltpu.VMEM((B,), jnp.int32),
            pltpu.VMEM((CB,), jnp.float32),
            pltpu.VMEM((CB,), jnp.float32),
            pltpu.SemaphoreType.DMA,
            pltpu.SemaphoreType.DMA,
            pltpu.SemaphoreType.DMA,
        ],
    )
    def k(w2_hbm, w1_hbm, idx_hbm, e2t_out, w1v_out,
          plane_v, idx_v, out_v0, out_v1, sem_p, sem_i, sem_o):
        wid = lax.axis_index("s") * NC + lax.axis_index("c")

        def drain_wb(n):
            for _ in range(n):
                pltpu.make_async_copy(
                    out_v0, e2t_out.at[0, pl.ds(0, CB)], sem_o).wait()

        def do_plane(table_hbm, q, f, out_hbm, first, load_idx):
            p = f * E + q // F if table_hbm is not w1_hbm else q
            cp_p = pltpu.async_copy(table_hbm.at[p], plane_v, sem_p)
            cp_i = pltpu.async_copy(idx_hbm.at[f], idx_v, sem_i) if load_idx else None
            if first is None:
                drain_wb(2)
            else:
                @pl.when(jnp.logical_not(first))
                def _():
                    drain_wb(2)
            cp_p.wait()
            if cp_i is not None:
                cp_i.wait()
            for c in range(NCB):
                if c >= 2:
                    drain_wb(1)
                buf = out_v0 if c % 2 == 0 else out_v1

                @plsc.parallel_loop(0, CB // L, unroll=8)
                def gat(j):
                    vidx = idx_v[pl.ds(c * CB + j * L, L)]
                    buf[pl.ds(j * L, L)] = plsc.load_gather(plane_v, [vidx])

                pltpu.async_copy(buf, out_hbm.at[q, pl.ds(c * CB, CB)], sem_o)

        @pl.when(wid < F)
        def _():
            pltpu.async_copy(idx_hbm.at[wid], idx_v, sem_i).wait()

            def loop1(i, carry):
                do_plane(w2_hbm, wid + F * i, wid, e2t_out, i == 0, False)
                return carry

            lax.fori_loop(0, PW, loop1, 0)
            do_plane(w1_hbm, wid, wid, w1v_out, None, False)

        @pl.when(wid >= F)
        def _():
            def loop2(i, carry):
                q = F * PW + (wid - F) * PW + i
                do_plane(w2_hbm, q, lax.rem(q, F), e2t_out, i == 0, True)
                return carry

            lax.fori_loop(0, PW, loop2, 0)

        drain_wb(2)

    return k(w2t, w1t, idxt)


def _pass_a_body(e2t_ref, w1v_ref, xv_ref, wl1_ref, bl1_ref, s_ref,
                 h1_ref, part_ref, gram_ref, scol_ref):
    xvt = xv_ref[...]
    xe = jnp.concatenate([xvt] * E, axis=0)
    e2 = e2t_ref[...] * xe
    h1 = _dot(wl1_ref[...], e2) + bl1_ref[...]
    h1_ref[...] = h1
    st = _dot(s_ref[...], e2)
    fm2 = 0.5 * (jnp.sum(st * st, 0, keepdims=True)
                 - jnp.sum(e2 * e2, 0, keepdims=True))
    fm1 = jnp.sum(w1v_ref[...] * xvt, 0, keepdims=True)
    part_ref[...] = fm1 + fm2
    g = lax.dot_general(h1, h1, (((1,), (1,)), ((), ())), precision=_HIGH)
    sc = jnp.sum(h1, 1, keepdims=True)
    i = pl.program_id(0)

    @pl.when(i == 0)
    def _():
        gram_ref[...] = g
        scol_ref[...] = sc

    @pl.when(i != 0)
    def _():
        gram_ref[...] += g
        scol_ref[...] += sc


def _pass_a(e2t, w1vt, xvt, wl1, bl1c, st, bb=4096, interpret=False):
    nb = B // bb
    const = lambda i: (0, 0)
    return pl.pallas_call(
        _pass_a_body,
        grid=(nb,),
        in_specs=[
            pl.BlockSpec((FE, bb), lambda i: (0, i)),
            pl.BlockSpec((F, bb), lambda i: (0, i)),
            pl.BlockSpec((F, bb), lambda i: (0, i)),
            pl.BlockSpec((H, FE), const),
            pl.BlockSpec((H, 1), const),
            pl.BlockSpec((E, FE), const),
        ],
        out_specs=[
            pl.BlockSpec((H, bb), lambda i: (0, i)),
            pl.BlockSpec((1, bb), lambda i: (0, i)),
            pl.BlockSpec((H, H), const),
            pl.BlockSpec((H, 1), const),
        ],
        out_shape=[
            jax.ShapeDtypeStruct((H, B), jnp.float32),
            jax.ShapeDtypeStruct((1, B), jnp.float32),
            jax.ShapeDtypeStruct((H, H), jnp.float32),
            jax.ShapeDtypeStruct((H, 1), jnp.float32),
        ],
        interpret=interpret,
    )(e2t, w1vt, xvt, wl1, bl1c, st)


def _pass_b_body(h1_ref, part_ref, gram_ref, scol_ref, wl2_ref, eye_ref,
                 g1_ref, bt1_ref, g2_ref, bt2_ref, bl2_ref, bias_ref,
                 out_ref):
    binv = 1.0 / B
    eye = eye_ref[...]
    wl2 = wl2_ref[...]
    m1 = scol_ref[...] * binv
    outer = lax.dot_general(m1, m1, (((1,), (1,)), ((), ())), precision=_HIGH)
    cov1 = gram_ref[...] * binv - outer
    v1 = jnp.sum(cov1 * eye, 1, keepdims=True)
    c = g1_ref[...] * lax.rsqrt(v1 + EPS)
    c_row = jnp.sum(eye * c, 0, keepdims=True)
    covn = (c * cov1) * c_row
    t = _dot(wl2, covn)
    v2 = jnp.sum(t * wl2, 1, keepdims=True)
    a = g2_ref[...] * lax.rsqrt(v2 + EPS)
    u = lax.dot_general(wl2, a, (((0,), (0,)), ((), ())), precision=_HIGH)
    m2 = _dot(wl2, bt1_ref[...]) + bl2_ref[...]
    d = bt1_ref[...] - c * m1
    k = (jnp.sum(u * d) + jnp.sum(a * bl2_ref[...])
         + jnp.sum(bt2_ref[...] - a * m2) + bias_ref[0, 0])
    out_ref[...] = (part_ref[...] + k
                    + lax.dot_general(u * c, h1_ref[...],
                                      (((0,), (0,)), ((), ())),
                                      precision=_HIGH))


def _pass_b(h1t, part, gram, scol, wl2, eye, g1c, bt1c, g2c, bt2c, bl2c,
            biasr, bb=4096, interpret=False):
    nb = B // bb
    const = lambda i: (0, 0)
    return pl.pallas_call(
        _pass_b_body,
        grid=(nb,),
        in_specs=[
            pl.BlockSpec((H, bb), lambda i: (0, i)),
            pl.BlockSpec((1, bb), lambda i: (0, i)),
            pl.BlockSpec((H, H), const),
            pl.BlockSpec((H, 1), const),
            pl.BlockSpec((H, H), const),
            pl.BlockSpec((H, H), const),
            pl.BlockSpec((H, 1), const),
            pl.BlockSpec((H, 1), const),
            pl.BlockSpec((H, 1), const),
            pl.BlockSpec((H, 1), const),
            pl.BlockSpec((H, 1), const),
            pl.BlockSpec((1, 1), const),
        ],
        out_specs=pl.BlockSpec((1, bb), lambda i: (0, i)),
        out_shape=jax.ShapeDtypeStruct((1, B), jnp.float32),
        interpret=interpret,
    )(h1t, part, gram, scol, wl2, eye, g1c, bt1c, g2c, bt2c, bl2c, biasr)


def kernel(Xi, Xv, W1, W2, Wl1, bl1, g1, bt1, Wl2, bl2, g2, bt2, bias):
    w2t = jnp.transpose(W2, (0, 2, 1)).reshape(FE, V)
    w1t = W1[:, :, 0]
    idxt = Xi[:, :, 0].astype(jnp.int32).T
    xvt = Xv.T

    e2t, w1vt = _sc_gather(w2t, w1t, idxt)

    st = jnp.kron(jnp.eye(E, dtype=jnp.float32), jnp.ones((1, F), jnp.float32))
    wl1p = Wl1.reshape(H, F, E).transpose(0, 2, 1).reshape(H, FE)

    h1t, part, gram, scol = _pass_a(e2t, w1vt, xvt, wl1p, bl1.reshape(H, 1),
                                    st)

    out = _pass_b(h1t, part, gram, scol, Wl2, jnp.eye(H, dtype=jnp.float32),
                  g1.reshape(H, 1), bt1.reshape(H, 1), g2.reshape(H, 1),
                  bt2.reshape(H, 1), bl2.reshape(H, 1), bias.reshape(1, 1))
    return out.reshape(B)

# --- scband reference (transcript-rebuilt; emitter-appended) ---
"""Pipeline reference for scband-deep-fm-7318624272816 (READ-ONLY COPY).

The authoritative reference and input builder live on the scoring server;
editing this copy changes nothing except your own understanding.
"""

import jax, jax.numpy as jnp
import numpy as np

B = 16384
F = 26
V = 100000
E = 16
H = 32

def setup_inputs(seed: int = 0) -> dict:
    key = jax.random.key(seed)
    ks = jax.random.split(key, 10)
    Xi = jax.random.randint(ks[0], (B, F, 1), 0, V, dtype=jnp.int64 if jax.config.jax_enable_x64 else jnp.int32)
    Xv = jax.random.uniform(ks[1], (B, F), dtype=jnp.float32)
    W1 = jax.random.normal(ks[2], (F, V, 1), dtype=jnp.float32) * 0.01
    W2 = jax.random.normal(ks[3], (F, V, E), dtype=jnp.float32) * 0.01
    Wl1 = jax.random.normal(ks[4], (H, F * E), dtype=jnp.float32) * (1.0 / np.sqrt(F * E))
    bl1 = jnp.zeros((H,), dtype=jnp.float32)
    g1 = jnp.ones((H,), dtype=jnp.float32)
    bt1 = jnp.zeros((H,), dtype=jnp.float32)
    Wl2 = jax.random.normal(ks[5], (H, H), dtype=jnp.float32) * (1.0 / np.sqrt(H))
    bl2 = jnp.zeros((H,), dtype=jnp.float32)
    g2 = jnp.ones((H,), dtype=jnp.float32)
    bt2 = jnp.zeros((H,), dtype=jnp.float32)
    bias = jax.random.normal(ks[6], (1,), dtype=jnp.float32)
    return {"Xi": Xi, "Xv": Xv, "W1": W1, "W2": W2, "Wl1": Wl1, "bl1": bl1, "g1": g1, "bt1": bt1, "Wl2": Wl2, "bl2": bl2, "g2": g2, "bt2": bt2, "bias": bias}

def reference(Xi, Xv, W1, W2, Wl1, bl1, g1, bt1, Wl2, bl2, g2, bt2, bias):
    eps = 1e-5
    idx = Xi[:, :, 0]                      # [B, F]
    fidx = jnp.arange(F)[None, :]          # [1, F]
    # FM first order: per-field embedding lookup (dim 1) scaled by value
    fm_first = W1[fidx, idx, 0] * Xv       # [B, F]
    # FM second order: per-field embedding lookup (dim E) scaled by value
    e2 = W2[fidx, idx] * Xv[:, :, None]    # [B, F, E]
    s = e2.sum(axis=1)                     # [B, E]
    fm_second = 0.5 * (s * s - (e2 * e2).sum(axis=1))  # [B, E]
    # Deep part (concat of second-order field embeddings, field-major)
    deep = e2.reshape(B, F * E)
    h = deep @ Wl1.T + bl1
    m = h.mean(axis=0); v = h.var(axis=0)
    h = g1 * (h - m) / jnp.sqrt(v + eps) + bt1   # BatchNorm1d (training-mode batch stats)
    # dropout is identity in deterministic reference
    h = h @ Wl2.T + bl2
    m = h.mean(axis=0); v = h.var(axis=0)
    h = g2 * (h - m) / jnp.sqrt(v + eps) + bt2
    total = fm_first.sum(axis=1) + fm_second.sum(axis=1) + h.sum(axis=1) + bias
    return total

if __name__ == "__main__":
    import jax
    _d = setup_inputs()
    print(jax.jit(kernel)(*tuple(_d.values())))

</pallas_src>

<mosaic_0001>
#map = affine_map<(d0, d1) -> (0, 0)>
module attributes {stable_mosaic.version = 14 : i64} {
  func.func @k(%arg0: i32, %arg1: i32, %arg2: memref<416x100000xf32, #tpu.memory_space<hbm>>, %arg3: memref<26x100000xf32, #tpu.memory_space<hbm>>, %arg4: memref<26x16384xi32, #tpu.memory_space<hbm>>, %arg5: memref<416x16384xf32, #tpu.memory_space<hbm>>, %arg6: memref<26x16384xf32, #tpu.memory_space<hbm>>, %arg7: memref<100000xf32, #tpu.memory_space<vmem>>, %arg8: memref<16384xi32, #tpu.memory_space<vmem>>, %arg9: memref<4096xf32, #tpu.memory_space<vmem>>, %arg10: memref<4096xf32, #tpu.memory_space<vmem>>, %arg11: memref<!tpu.dma_semaphore, #tpu.memory_space<semaphore_mem>>, %arg12: memref<!tpu.dma_semaphore, #tpu.memory_space<semaphore_mem>>, %arg13: memref<!tpu.dma_semaphore, #tpu.memory_space<semaphore_mem>>) attributes {dimension_semantics = [#tpu.dimension_semantics<core_parallel>, #tpu.dimension_semantics<subcore_parallel>], iteration_bounds = array<i64: 2, 16>, scalar_prefetch = 0 : i64, scratch_operands = 7 : i64, tpu.core_type = #tpu.core_type<sc_vector_subcore>, window_params = [{transform_indices = #map}, {transform_indices = #map}, {transform_indices = #map}, {transform_indices = #map}, {transform_indices = #map}]} {
    %mul3A = arith.constant 2 : i32
    %mul3A_0 = arith.muli %arg1, %mul3A : i32
    %add3A = arith.addi %mul3A_0, %arg0 : i32
    %lt3A = arith.constant 26 : i32
    %lt3A_1 = arith.cmpi slt, %add3A, %lt3A : i32
    %convert_element_type3A = arith.extui %lt3A_1 : i1 to i32
    %cond3A = arith.constant 0 : i32
    %cond3A_2 = arith.cmpi ne, %convert_element_type3A, %cond3A : i32
    scf.if %cond3A_2 {
      %dma_start3A = arith.constant 0 : i32
      %dma_start3A_20 = tpu.memref_slice %arg4[%add3A, %dma_start3A] : memref<26x16384xi32, #tpu.memory_space<hbm>> -> memref<1x16384xi32, #tpu.memory_space<hbm>>
      %dma_start3A_21 = tpu.memref_squeeze %dma_start3A_20 : memref<1x16384xi32, #tpu.memory_space<hbm>> -> memref<16384xi32, #tpu.memory_space<hbm>>
      %dma_start3A_22 = arith.constant 0 : i32
      %dma_start3A_23 = tpu.memref_slice %arg4[%add3A, %dma_start3A_22] : memref<26x16384xi32, #tpu.memory_space<hbm>> -> memref<1x16384xi32, #tpu.memory_space<hbm>>
      %dma_start3A_24 = tpu.memref_squeeze %dma_start3A_23 : memref<1x16384xi32, #tpu.memory_space<hbm>> -> memref<16384xi32, #tpu.memory_space<hbm>>
      tpu.enqueue_dma source(%dma_start3A_24 : memref<16384xi32, #tpu.memory_space<hbm>>) target(%arg8 : memref<16384xi32, #tpu.memory_space<vmem>>) target_semaphore(%arg12 : memref<!tpu.dma_semaphore, #tpu.memory_space<semaphore_mem>>)
      %dma_wait3A_25 = arith.constant 0 : i32
      %dma_wait3A_26 = tpu.memref_slice %arg4[%add3A, %dma_wait3A_25] : memref<26x16384xi32, #tpu.memory_space<hbm>> -> memref<1x16384xi32, #tpu.memory_space<hbm>>
      %dma_wait3A_27 = tpu.memref_squeeze %dma_wait3A_26 : memref<1x16384xi32, #tpu.memory_space<hbm>> -> memref<16384xi32, #tpu.memory_space<hbm>>
      %dma_wait3A_28 = arith.constant 0 : i32
      %dma_wait3A_29 = tpu.memref_slice %arg4[%add3A, %dma_wait3A_28] : memref<26x16384xi32, #tpu.memory_space<hbm>> -> memref<1x16384xi32, #tpu.memory_space<hbm>>
      %dma_wait3A_30 = tpu.memref_squeeze %dma_wait3A_29 : memref<1x16384xi32, #tpu.memory_space<hbm>> -> memref<16384xi32, #tpu.memory_space<hbm>>
      tpu.wait_dma2 semaphore(%arg12 : memref<!tpu.dma_semaphore, #tpu.memory_space<semaphore_mem>>) src(%dma_wait3A_30 : memref<16384xi32, #tpu.memory_space<hbm>>) dst(%arg8 : memref<16384xi32, #tpu.memory_space<vmem>>)
      %scan3A = arith.constant 0 : i32
      %scan3A_31 = arith.constant 0 : i32
      %scan3A_32 = arith.constant 13 : i32
      %scan3A_33 = arith.addi %scan3A_31, %scan3A_32 : i32
      %scan3A_34 = arith.constant 1 : i32
      scf.for %scan3A_111 = %scan3A_31 to %scan3A_33 step %scan3A_34  : i32 {
        %mul3A_112 = arith.constant 26 : i32
        %mul3A_113 = arith.muli %mul3A_112, %scan3A_111 : i32
        %add3A_114 = arith.addi %add3A, %mul3A_113 : i32
        %eq3A = arith.constant 0 : i32
        %eq3A_115 = arith.cmpi eq, %scan3A_111, %eq3A : i32
        %mul3A_116 = arith.constant 16 : i32
        %mul3A_117 = arith.muli %add3A, %mul3A_116 : i32
        %jit3A = arith.constant 26 : i32
        %div3A = arith.divsi %add3A_114, %jit3A : i32
        %sign3A = arith.constant 0 : i32
        %sign3A_118 = arith.cmpi sgt, %add3A_114, %sign3A : i32
        %sign3A_119 = arith.extui %sign3A_118 : i1 to i32
        %sign3A_120 = arith.constant 0 : i32
        %sign3A_121 = arith.cmpi slt, %add3A_114, %sign3A_120 : i32
        %sign3A_122 = arith.extui %sign3A_121 : i1 to i32
        %sign3A_123 = arith.subi %sign3A_119, %sign3A_122 : i32
        %sign3A_124 = arith.constant 0 : i32
        %sign3A_125 = arith.cmpi sgt, %jit3A, %sign3A_124 : i32
        %sign3A_126 = arith.extui %sign3A_125 : i1 to i32
        %sign3A_127 = arith.constant 0 : i32
        %sign3A_128 = arith.cmpi slt, %jit3A, %sign3A_127 : i32
        %sign3A_129 = arith.extui %sign3A_128 : i1 to i32
        %sign3A_130 = arith.subi %sign3A_126, %sign3A_129 : i32
        %ne3A = arith.cmpi ne, %sign3A_123, %sign3A_130 : i32
        %rem3A = arith.remsi %add3A_114, %jit3A : i32
        %ne3A_131 = arith.constant 0 : i32
        %ne3A_132 = arith.cmpi ne, %rem3A, %ne3A_131 : i32
        %and3A = arith.andi %ne3A, %ne3A_132 : i1
        %sub3A = arith.constant 1 : i32
        %sub3A_133 = arith.subi %div3A, %sub3A : i32
        %select_n3A = arith.select %and3A, %sub3A_133, %div3A : i32
        %add3A_134 = arith.addi %mul3A_117, %select_n3A : i32
        %dma_start3A_135 = arith.constant 0 : i32
        %dma_start3A_136 = tpu.memref_slice %arg2[%add3A_134, %dma_start3A_135] : memref<416x100000xf32, #tpu.memory_space<hbm>> -> memref<1x100000xf32, #tpu.memory_space<hbm>>
        %dma_start3A_137 = tpu.memref_squeeze %dma_start3A_136 : memref<1x100000xf32, #tpu.memory_space<hbm>> -> memref<100000xf32, #tpu.memory_space<hbm>>
        %dma_start3A_138 = arith.constant 0 : i32
        %dma_start3A_139 = tpu.memref_slice %arg2[%add3A_134, %dma_start3A_138] : memref<416x100000xf32, #tpu.memory_space<hbm>> -> memref<1x100000xf32, #tpu.memory_space<hbm>>
        %dma_start3A_140 = tpu.memref_squeeze %dma_start3A_139 : memref<1x100000xf32, #tpu.memory_space<hbm>> -> memref<100000xf32, #tpu.memory_space<hbm>>
        tpu.enqueue_dma source(%dma_start3A_140 : memref<100000xf32, #tpu.memory_space<hbm>>) target(%arg7 : memref<100000xf32, #tpu.memory_space<vmem>>) target_semaphore(%arg11 : memref<!tpu.dma_semaphore, #tpu.memory_space<semaphore_mem>>)
        %not3A = arith.constant true
        %not3A_141 = arith.xori %eq3A_115, %not3A : i1
        %convert_element_type3A_142 = arith.extui %not3A_141 : i1 to i32
        %cond3A_143 = arith.constant 0 : i32
        %cond3A_144 = arith.cmpi ne, %convert_element_type3A_142, %cond3A_143 : i32
        scf.if %cond3A_144 {
          %dma_wait3A_201 = arith.constant 0 : i32
          %dma_wait3A_202 = arith.constant 0 : i32
          %dma_wait3A_203 = tpu.memref_slice %arg5[%dma_wait3A_201, %dma_wait3A_202] : memref<416x16384xf32, #tpu.memory_space<hbm>> -> memref<1x4096xf32, #tpu.memory_space<hbm>>
          %dma_wait3A_204 = tpu.memref_squeeze %dma_wait3A_203 : memref<1x4096xf32, #tpu.memory_space<hbm>> -> memref<4096xf32, #tpu.memory_space<hbm>>
          %dma_wait3A_205 = arith.constant 0 : i32
          %dma_wait3A_206 = tpu.memref_slice %arg5[%dma_wait3A_201, %dma_wait3A_205] : memref<416x16384xf32, #tpu.memory_space<hbm>> -> memref<1x4096xf32, #tpu.memory_space<hbm>>
          %dma_wait3A_207 = tpu.memref_squeeze %dma_wait3A_206 : memref<1x4096xf32, #tpu.memory_space<hbm>> -> memref<4096xf32, #tpu.memory_space<hbm>>
          tpu.wait_dma2 semaphore(%arg13 : memref<!tpu.dma_semaphore, #tpu.memory_space<semaphore_mem>>) src(%arg9 : memref<4096xf32, #tpu.memory_space<vmem>>) dst(%dma_wait3A_207 : memref<4096xf32, #tpu.memory_space<hbm>>)
          %dma_wait3A_208 = arith.constant 0 : i32
          %dma_wait3A_209 = arith.constant 0 : i32
          %dma_wait3A_210 = tpu.memref_slice %arg5[%dma_wait3A_208, %dma_wait3A_209] : memref<416x16384xf32, #tpu.memory_space<hbm>> -> memref<1x4096xf32, #tpu.memory_space<hbm>>
          %dma_wait3A_211 = tpu.memref_squeeze %dma_wait3A_210 : memref<1x4096xf32, #tpu.memory_space<hbm>> -> memref<4096xf32, #tpu.memory_space<hbm>>
          %dma_wait3A_212 = arith.constant 0 : i32
          %dma_wait3A_213 = tpu.memref_slice %arg5[%dma_wait3A_208, %dma_wait3A_212] : memref<416x16384xf32, #tpu.memory_space<hbm>> -> memref<1x4096xf32, #tpu.memory_space<hbm>>
          %dma_wait3A_214 = tpu.memref_squeeze %dma_wait3A_213 : memref<1x4096xf32, #tpu.memory_space<hbm>> -> memref<4096xf32, #tpu.memory_space<hbm>>
          tpu.wait_dma2 semaphore(%arg13 : memref<!tpu.dma_semaphore, #tpu.memory_space<semaphore_mem>>) src(%arg9 : memref<4096xf32, #tpu.memory_space<vmem>>) dst(%dma_wait3A_214 : memref<4096xf32, #tpu.memory_space<hbm>>)
        } else {
        }
        %dma_wait3A_145 = arith.constant 0 : i32
        %dma_wait3A_146 = tpu.memref_slice %arg2[%add3A_134, %dma_wait3A_145] : memref<416x100000xf32, #tpu.memory_space<hbm>> -> memref<1x100000xf32, #tpu.memory_space<hbm>>
        %dma_wait3A_147 = tpu.memref_squeeze %dma_wait3A_146 : memref<1x100000xf32, #tpu.memory_space<hbm>> -> memref<100000xf32, #tpu.memory_space<hbm>>
        %dma_wait3A_148 = arith.constant 0 : i32
        %dma_wait3A_149 = tpu.memref_slice %arg2[%add3A_134, %dma_wait3A_148] : memref<416x100000xf32, #tpu.memory_space<hbm>> -> memref<1x100000xf32, #tpu.memory_space<hbm>>
        %dma_wait3A_150 = tpu.memref_squeeze %dma_wait3A_149 : memref<1x100000xf32, #tpu.memory_space<hbm>> -> memref<100000xf32, #tpu.memory_space<hbm>>
        tpu.wait_dma2 semaphore(%arg11 : memref<!tpu.dma_semaphore, #tpu.memory_space<semaphore_mem>>) src(%dma_wait3A_150 : memref<100000xf32, #tpu.memory_space<hbm>>) dst(%arg7 : memref<100000xf32, #tpu.memory_space<vmem>>)
        %parallel_loop3A_151 = arith.constant 0 : i32
        %parallel_loop3A_152 = arith.constant 256 : i32
        %parallel_loop3A_153 = arith.constant 1 : i32
        scf.for %parallel_loop3A_201 = %parallel_loop3A_151 to %parallel_loop3A_152 step %parallel_loop3A_153  : i32 {
          %parallel_loop3A_202 = arith.constant 16 : i32
          %parallel_loop3A_203 = arith.muli %parallel_loop3A_201, %parallel_loop3A_202 : i32
          %parallel_loop3A_204 = arith.constant 0 : i32
          %parallel_loop3A_205 = arith.addi %parallel_loop3A_204, %parallel_loop3A_203 : i32
          %parallel_loop3A_206 = arith.index_cast %parallel_loop3A_205 : i32 to index
          %parallel_loop3A_207 = tpu.vector_load %arg8[%parallel_loop3A_206] {strides = array<i32>} : memref<16384xi32, #tpu.memory_space<vmem>>, vector<16xi32>,
          %parallel_loop3A_208 = tpu.vector_load_idx %arg7[%parallel_loop3A_207] : memref<100000xf32, #tpu.memory_space<vmem>>[vector<16xi32>], vector<16xf32>,
          %parallel_loop3A_209 = arith.constant 16 : i32
          %parallel_loop3A_210 = arith.muli %parallel_loop3A_201, %parallel_loop3A_209 : i32
          %parallel_loop3A_211 = arith.index_cast %parallel_loop3A_210 : i32 to index
          %parallel_loop3A_212 = tpu.vector_load %arg9[%parallel_loop3A_211] {strides = array<i32>} : memref<4096xf32, #tpu.memory_space<vmem>>, vector<16xf32>,
          tpu.vector_store %arg9[%parallel_loop3A_211], %parallel_loop3A_208 {strides = array<i32>} : memref<4096xf32, #tpu.memory_space<vmem>>, vector<16xf32>,
        } {sc.loop_unroll_factor = 8 : i64, sc.parallel_access}
        %dma_start3A_154 = arith.constant 0 : i32
        %dma_start3A_155 = tpu.memref_slice %arg5[%add3A_114, %dma_start3A_154] : memref<416x16384xf32, #tpu.memory_space<hbm>> -> memref<1x4096xf32, #tpu.memory_space<hbm>>
        %dma_start3A_156 = tpu.memref_squeeze %dma_start3A_155 : memref<1x4096xf32, #tpu.memory_space<hbm>> -> memref<4096xf32, #tpu.memory_space<hbm>>
        %dma_start3A_157 = arith.constant 0 : i32
        %dma_start3A_158 = tpu.memref_slice %arg5[%add3A_114, %dma_start3A_157] : memref<416x16384xf32, #tpu.memory_space<hbm>> -> memref<1x4096xf32, #tpu.memory_space<hbm>>
        %dma_start3A_159 = tpu.memref_squeeze %dma_start3A_158 : memref<1x4096xf32, #tpu.memory_space<hbm>> -> memref<4096xf32, #tpu.memory_space<hbm>>
        tpu.enqueue_dma source(%arg9 : memref<4096xf32, #tpu.memory_space<vmem>>) target(%dma_start3A_159 : memref<4096xf32, #tpu.memory_space<hbm>>) target_semaphore(%arg13 : memref<!tpu.dma_semaphore, #tpu.memory_space<semaphore_mem>>)
        %parallel_loop3A_160 = arith.constant 0 : i32
        %parallel_loop3A_161 = arith.constant 256 : i32
        %parallel_loop3A_162 = arith.constant 1 : i32
        scf.for %parallel_loop3A_201 = %parallel_loop3A_160 to %parallel_loop3A_161 step %parallel_loop3A_162  : i32 {
          %parallel_loop3A_202 = arith.constant 16 : i32
          %parallel_loop3A_203 = arith.muli %parallel_loop3A_201, %parallel_loop3A_202 : i32
          %parallel_loop3A_204 = arith.constant 4096 : i32
          %parallel_loop3A_205 = arith.addi %parallel_loop3A_204, %parallel_loop3A_203 : i32
          %parallel_loop3A_206 = arith.index_cast %parallel_loop3A_205 : i32 to index
          %parallel_loop3A_207 = tpu.vector_load %arg8[%parallel_loop3A_206] {strides = array<i32>} : memref<16384xi32, #tpu.memory_space<vmem>>, vector<16xi32>,
          %parallel_loop3A_208 = tpu.vector_load_idx %arg7[%parallel_loop3A_207] : memref<100000xf32, #tpu.memory_space<vmem>>[vector<16xi32>], vector<16xf32>,
          %parallel_loop3A_209 = arith.constant 16 : i32
          %parallel_loop3A_210 = arith.muli %parallel_loop3A_201, %parallel_loop3A_209 : i32
          %parallel_loop3A_211 = arith.index_cast %parallel_loop3A_210 : i32 to index
          %parallel_loop3A_212 = tpu.vector_load %arg10[%parallel_loop3A_211] {strides = array<i32>} : memref<4096xf32, #tpu.memory_space<vmem>>, vector<16xf32>,
          tpu.vector_store %arg10[%parallel_loop3A_211], %parallel_loop3A_208 {strides = array<i32>} : memref<4096xf32, #tpu.memory_space<vmem>>, vector<16xf32>,
        } {sc.loop_unroll_factor = 8 : i64, sc.parallel_access}
        %dma_start3A_163 = arith.constant 4096 : i32
        %dma_start3A_164 = tpu.memref_slice %arg5[%add3A_114, %dma_start3A_163] : memref<416x16384xf32, #tpu.memory_space<hbm>> -> memref<1x4096xf32, #tpu.memory_space<hbm>>
        %dma_start3A_165 = tpu.memref_squeeze %dma_start3A_164 : memref<1x4096xf32, #tpu.memory_space<hbm>> -> memref<4096xf32, #tpu.memory_space<hbm>>
        %dma_start3A_166 = arith.constant 4096 : i32
        %dma_start3A_167 = tpu.memref_slice %arg5[%add3A_114, %dma_start3A_166] : memref<416x16384xf32, #tpu.memory_space<hbm>> -> memref<1x4096xf32, #tpu.memory_space<hbm>>
        %dma_start3A_168 = tpu.memref_squeeze %dma_start3A_167 : memref<1x4096xf32, #tpu.memory_space<hbm>> -> memref<4096xf32, #tpu.memory_space<hbm>>
        tpu.enqueue_dma source(%arg10 : memref<4096xf32, #tpu.memory_space<vmem>>) target(%dma_start3A_168 : memref<4096xf32, #tpu.memory_space<hbm>>) target_semaphore(%arg13 : memref<!tpu.dma_semaphore, #tpu.memory_space<semaphore_mem>>)
        %dma_wait3A_169 = arith.constant 0 : i32
        %dma_wait3A_170 = arith.constant 0 : i32
        %dma_wait3A_171 = tpu.memref_slice %arg5[%dma_wait3A_169, %dma_wait3A_170] : memref<416x16384xf32, #tpu.memory_space<hbm>> -> memref<1x4096xf32, #tpu.memory_space<hbm>>
        %dma_wait3A_172 = tpu.memref_squeeze %dma_wait3A_171 : memref<1x4096xf32, #tpu.memory_space<hbm>> -> memref<4096xf32, #tpu.memory_space<hbm>>
        %dma_wait3A_173 = arith.constant 0 : i32
        %dma_wait3A_174 = tpu.memref_slice %arg5[%dma_wait3A_169, %dma_wait3A_173] : memref<416x16384xf32, #tpu.memory_space<hbm>> -> memref<1x4096xf32, #tpu.memory_space<hbm>>
        %dma_wait3A_175 = tpu.memref_squeeze %dma_wait3A_174 : memref<1x4096xf32, #tpu.memory_space<hbm>> -> memref<4096xf32, #tpu.memory_space<hbm>>
        tpu.wait_dma2 semaphore(%arg13 : memref<!tpu.dma_semaphore, #tpu.memory_space<semaphore_mem>>) src(%arg9 : memref<4096xf32, #tpu.memory_space<vmem>>) dst(%dma_wait3A_175 : memref<4096xf32, #tpu.memory_space<hbm>>)
        %parallel_loop3A_176 = arith.constant 0 : i32
        %parallel_loop3A_177 = arith.constant 256 : i32
        %parallel_loop3A_178 = arith.constant 1 : i32
        scf.for %parallel_loop3A_201 = %parallel_loop3A_176 to %parallel_loop3A_177 step %parallel_loop3A_178  : i32 {
          %parallel_loop3A_202 = arith.constant 16 : i32
          %parallel_loop3A_203 = arith.muli %parallel_loop3A_201, %parallel_loop3A_202 : i32
          %parallel_loop3A_204 = arith.constant 8192 : i32
          %parallel_loop3A_205 = arith.addi %parallel_loop3A_204, %parallel_loop3A_203 : i32
          %parallel_loop3A_206 = arith.index_cast %parallel_loop3A_205 : i32 to index
          %parallel_loop3A_207 = tpu.vector_load %arg8[%parallel_loop3A_206] {strides = array<i32>} : memref<16384xi32, #tpu.memory_space<vmem>>, vector<16xi32>,
          %parallel_loop3A_208 = tpu.vector_load_idx %arg7[%parallel_loop3A_207] : memref<100000xf32, #tpu.memory_space<vmem>>[vector<16xi32>], vector<16xf32>,
          %parallel_loop3A_209 = arith.constant 16 : i32
          %parallel_loop3A_210 = arith.muli %parallel_loop3A_201, %parallel_loop3A_209 : i32
          %parallel_loop3A_211 = arith.index_cast %parallel_loop3A_210 : i32 to index
          %parallel_loop3A_212 = tpu.vector_load %arg9[%parallel_loop3A_211] {strides = array<i32>} : memref<4096xf32, #tpu.memory_space<vmem>>, vector<16xf32>,
          tpu.vector_store %arg9[%parallel_loop3A_211], %parallel_loop3A_208 {strides = array<i32>} : memref<4096xf32, #tpu.memory_space<vmem>>, vector<16xf32>,
        } {sc.loop_unroll_factor = 8 : i64, sc.parallel_access}
        %dma_start3A_179 = arith.constant 8192 : i32
        %dma_start3A_180 = tpu.memref_slice %arg5[%add3A_114, %dma_start3A_179] : memref<416x16384xf32, #tpu.memory_space<hbm>> -> memref<1x4096xf32, #tpu.memory_space<hbm>>
        %dma_start3A_181 = tpu.memref_squeeze %dma_start3A_180 : memref<1x4096xf32, #tpu.memory_space<hbm>> -> memref<4096xf32, #tpu.memory_space<hbm>>
        %dma_start3A_182 = arith.constant 8192 : i32
        %dma_start3A_183 = tpu.memref_slice %arg5[%add3A_114, %dma_start3A_182] : memref<416x16384xf32, #tpu.memory_space<hbm>> -> memref<1x4096xf32, #tpu.memory_space<hbm>>
        %dma_start3A_184 = tpu.memref_squeeze %dma_start3A_183 : memref<1x4096xf32, #tpu.memory_space<hbm>> -> memref<4096xf32, #tpu.memory_space<hbm>>
        tpu.enqueue_dma source(%arg9 : memref<4096xf32, #tpu.memory_space<vmem>>) target(%dma_start3A_184 : memref<4096xf32, #tpu.memory_space<hbm>>) target_semaphore(%arg13 : memref<!tpu.dma_semaphore, #tpu.memory_space<semaphore_mem>>)
        %dma_wait3A_185 = arith.constant 0 : i32
        %dma_wait3A_186 = arith.constant 0 : i32
        %dma_wait3A_187 = tpu.memref_slice %arg5[%dma_wait3A_185, %dma_wait3A_186] : memref<416x16384xf32, #tpu.memory_space<hbm>> -> memref<1x4096xf32, #tpu.memory_space<hbm>>
        %dma_wait3A_188 = tpu.memref_squeeze %dma_wait3A_187 : memref<1x4096xf32, #tpu.memory_space<hbm>> -> memref<4096xf32, #tpu.memory_space<hbm>>
        %dma_wait3A_189 = arith.constant 0 : i32
        %dma_wait3A_190 = tpu.memref_slice %arg5[%dma_wait3A_185, %dma_wait3A_189] : memref<416x16384xf32, #tpu.memory_space<hbm>> -> memref<1x4096xf32, #tpu.memory_space<hbm>>
        %dma_wait3A_191 = tpu.memref_squeeze %dma_wait3A_190 : memref<1x4096xf32, #tpu.memory_space<hbm>> -> memref<4096xf32, #tpu.memory_space<hbm>>
        tpu.wait_dma2 semaphore(%arg13 : memref<!tpu.dma_semaphore, #tpu.memory_space<semaphore_mem>>) src(%arg9 : memref<4096xf32, #tpu.memory_space<vmem>>) dst(%dma_wait3A_191 : memref<4096xf32, #tpu.memory_space<hbm>>)
        %parallel_loop3A_192 = arith.constant 0 : i32
        %parallel_loop3A_193 = arith.constant 256 : i32
        %parallel_loop3A_194 = arith.constant 1 : i32
        scf.for %parallel_loop3A_201 = %parallel_loop3A_192 to %parallel_loop3A_193 step %parallel_loop3A_194  : i32 {
          %parallel_loop3A_202 = arith.constant 16 : i32
          %parallel_loop3A_203 = arith.muli %parallel_loop3A_201, %parallel_loop3A_202 : i32
          %parallel_loop3A_204 = arith.constant 12288 : i32
          %parallel_loop3A_205 = arith.addi %parallel_loop3A_204, %parallel_loop3A_203 : i32
          %parallel_loop3A_206 = arith.index_cast %parallel_loop3A_205 : i32 to index
          %parallel_loop3A_207 = tpu.vector_load %arg8[%parallel_loop3A_206] {strides = array<i32>} : memref<16384xi32, #tpu.memory_space<vmem>>, vector<16xi32>,
          %parallel_loop3A_208 = tpu.vector_load_idx %arg7[%parallel_loop3A_207] : memref<100000xf32, #tpu.memory_space<vmem>>[vector<16xi32>], vector<16xf32>,
          %parallel_loop3A_209 = arith.constant 16 : i32
          %parallel_loop3A_210 = arith.muli %parallel_loop3A_201, %parallel_loop3A_209 : i32
          %parallel_loop3A_211 = arith.index_cast %parallel_loop3A_210 : i32 to index
          %parallel_loop3A_212 = tpu.vector_load %arg10[%parallel_loop3A_211] {strides = array<i32>} : memref<4096xf32, #tpu.memory_space<vmem>>, vector<16xf32>,
          tpu.vector_store %arg10[%parallel_loop3A_211], %parallel_loop3A_208 {strides = array<i32>} : memref<4096xf32, #tpu.memory_space<vmem>>, vector<16xf32>,
        } {sc.loop_unroll_factor = 8 : i64, sc.parallel_access}
        %dma_start3A_195 = arith.constant 12288 : i32
        %dma_start3A_196 = tpu.memref_slice %arg5[%add3A_114, %dma_start3A_195] : memref<416x16384xf32, #tpu.memory_space<hbm>> -> memref<1x4096xf32, #tpu.memory_space<hbm>>
        %dma_start3A_197 = tpu.memref_squeeze %dma_start3A_196 : memref<1x4096xf32, #tpu.memory_space<hbm>> -> memref<4096xf32, #tpu.memory_space<hbm>>
        %dma_start3A_198 = arith.constant 12288 : i32
        %dma_start3A_199 = tpu.memref_slice %arg5[%add3A_114, %dma_start3A_198] : memref<416x16384xf32, #tpu.memory_space<hbm>> -> memref<1x4096xf32, #tpu.memory_space<hbm>>
        %dma_start3A_200 = tpu.memref_squeeze %dma_start3A_199 : memref<1x4096xf32, #tpu.memory_space<hbm>> -> memref<4096xf32, #tpu.memory_space<hbm>>
        tpu.enqueue_dma source(%arg10 : memref<4096xf32, #tpu.memory_space<vmem>>) target(%dma_start3A_200 : memref<4096xf32, #tpu.memory_space<hbm>>) target_semaphore(%arg13 : memref<!tpu.dma_semaphore, #tpu.memory_space<semaphore_mem>>)
      }
      %scan3A_35 = arith.constant 13 : i32
      %dma_start3A_36 = arith.constant 0 : i32
      %dma_start3A_37 = tpu.memref_slice %arg3[%add3A, %dma_start3A_36] : memref<26x100000xf32, #tpu.memory_space<hbm>> -> memref<1x100000xf32, #tpu.memory_space<hbm>>
      %dma_start3A_38 = tpu.memref_squeeze %dma_start3A_37 : memref<1x100000xf32, #tpu.memory_space<hbm>> -> memref<100000xf32, #tpu.memory_space<hbm>>
      %dma_start3A_39 = arith.constant 0 : i32
      %dma_start3A_40 = tpu.memref_slice %arg3[%add3A, %dma_start3A_39] : memref<26x100000xf32, #tpu.memory_space<hbm>> -> memref<1x100000xf32, #tpu.memory_space<hbm>>
      %dma_start3A_41 = tpu.memref_squeeze %dma_start3A_40 : memref<1x100000xf32, #tpu.memory_space<hbm>> -> memref<100000xf32, #tpu.memory_space<hbm>>
      tpu.enqueue_dma source(%dma_start3A_41 : memref<100000xf32, #tpu.memory_space<hbm>>) target(%arg7 : memref<100000xf32, #tpu.memory_space<vmem>>) target_semaphore(%arg11 : memref<!tpu.dma_semaphore, #tpu.memory_space<semaphore_mem>>)
      %dma_wait3A_42 = arith.constant 0 : i32
      %dma_wait3A_43 = arith.constant 0 : i32
      %dma_wait3A_44 = tpu.memref_slice %arg5[%dma_wait3A_42, %dma_wait3A_43] : memref<416x16384xf32, #tpu.memory_space<hbm>> -> memref<1x4096xf32, #tpu.memory_space<hbm>>
      %dma_wait3A_45 = tpu.memref_squeeze %dma_wait3A_44 : memref<1x4096xf32, #tpu.memory_space<hbm>> -> memref<4096xf32, #tpu.memory_space<hbm>>
      %dma_wait3A_46 = arith.constant 0 : i32
      %dma_wait3A_47 = tpu.memref_slice %arg5[%dma_wait3A_42, %dma_wait3A_46] : memref<416x16384xf32, #tpu.memory_space<hbm>> -> memref<1x4096xf32, #tpu.memory_space<hbm>>
      %dma_wait3A_48 = tpu.memref_squeeze %dma_wait3A_47 : memref<1x4096xf32, #tpu.memory_space<hbm>> -> memref<4096xf32, #tpu.memory_space<hbm>>
      tpu.wait_dma2 semaphore(%arg13 : memref<!tpu.dma_semaphore, #tpu.memory_space<semaphore_mem>>) src(%arg9 : memref<4096xf32, #tpu.memory_space<vmem>>) dst(%dma_wait3A_48 : memref<4096xf32, #tpu.memory_space<hbm>>)
      %dma_wait3A_49 = arith.constant 0 : i32
      %dma_wait3A_50 = arith.constant 0 : i32
      %dma_wait3A_51 = tpu.memref_slice %arg5[%dma_wait3A_49, %dma_wait3A_50] : memref<416x16384xf32, #tpu.memory_space<hbm>> -> memref<1x4096xf32, #tpu.memory_space<hbm>>
      %dma_wait3A_52 = tpu.memref_squeeze %dma_wait3A_51 : memref<1x4096xf32, #tpu.memory_space<hbm>> -> memref<4096xf32, #tpu.memory_space<hbm>>
      %dma_wait3A_53 = arith.constant 0 : i32
      %dma_wait3A_54 = tpu.memref_slice %arg5[%dma_wait3A_49, %dma_wait3A_53] : memref<416x16384xf32, #tpu.memory_space<hbm>> -> memref<1x4096xf32, #tpu.memory_space<hbm>>
      %dma_wait3A_55 = tpu.memref_squeeze %dma_wait3A_54 : memref<1x4096xf32, #tpu.memory_space<hbm>> -> memref<4096xf32, #tpu.memory_space<hbm>>
      tpu.wait_dma2 semaphore(%arg13 : memref<!tpu.dma_semaphore, #tpu.memory_space<semaphore_mem>>) src(%arg9 : memref<4096xf32, #tpu.memory_space<vmem>>) dst(%dma_wait3A_55 : memref<4096xf32, #tpu.memory_space<hbm>>)
      %dma_wait3A_56 = arith.constant 0 : i32
      %dma_wait3A_57 = tpu.memref_slice %arg3[%add3A, %dma_wait3A_56] : memref<26x100000xf32, #tpu.memory_space<hbm>> -> memref<1x100000xf32, #tpu.memory_space<hbm>>
      %dma_wait3A_58 = tpu.memref_squeeze %dma_wait3A_57 : memref<1x100000xf32, #tpu.memory_space<hbm>> -> memref<100000xf32, #tpu.memory_space<hbm>>
      %dma_wait3A_59 = arith.constant 0 : i32
      %dma_wait3A_60 = tpu.memref_slice %arg3[%add3A, %dma_wait3A_59] : memref<26x100000xf32, #tpu.memory_space<hbm>> -> memref<1x100000xf32, #tpu.memory_space<hbm>>
      %dma_wait3A_61 = tpu.memref_squeeze %dma_wait3A_60 : memref<1x100000xf32, #tpu.memory_space<hbm>> -> memref<100000xf32, #tpu.memory_space<hbm>>
      tpu.wait_dma2 semaphore(%arg11 : memref<!tpu.dma_semaphore, #tpu.memory_space<semaphore_mem>>) src(%dma_wait3A_61 : memref<100000xf32, #tpu.memory_space<hbm>>) dst(%arg7 : memref<100000xf32, #tpu.memory_space<vmem>>)
      %parallel_loop3A = arith.constant 0 : i32
      %parallel_loop3A_62 = arith.constant 256 : i32
      %parallel_loop3A_63 = arith.constant 1 : i32
      scf.for %parallel_loop3A_111 = %parallel_loop3A to %parallel_loop3A_62 step %parallel_loop3A_63  : i32 {
        %parallel_loop3A_112 = arith.constant 16 : i32
        %parallel_loop3A_113 = arith.muli %parallel_loop3A_111, %parallel_loop3A_112 : i32
        %parallel_loop3A_114 = arith.constant 0 : i32
        %parallel_loop3A_115 = arith.addi %parallel_loop3A_114, %parallel_loop3A_113 : i32
        %parallel_loop3A_116 = arith.index_cast %parallel_loop3A_115 : i32 to index
        %parallel_loop3A_117 = tpu.vector_load %arg8[%parallel_loop3A_116] {strides = array<i32>} : memref<16384xi32, #tpu.memory_space<vmem>>, vector<16xi32>,
        %parallel_loop3A_118 = tpu.vector_load_idx %arg7[%parallel_loop3A_117] : memref<100000xf32, #tpu.memory_space<vmem>>[vector<16xi32>], vector<16xf32>,
        %parallel_loop3A_119 = arith.constant 16 : i32
        %parallel_loop3A_120 = arith.muli %parallel_loop3A_111, %parallel_loop3A_119 : i32
        %parallel_loop3A_121 = arith.index_cast %parallel_loop3A_120 : i32 to index
        %parallel_loop3A_122 = tpu.vector_load %arg9[%parallel_loop3A_121] {strides = array<i32>} : memref<4096xf32, #tpu.memory_space<vmem>>, vector<16xf32>,
        tpu.vector_store %arg9[%parallel_loop3A_121], %parallel_loop3A_118 {strides = array<i32>} : memref<4096xf32, #tpu.memory_space<vmem>>, vector<16xf32>,
      } {sc.loop_unroll_factor = 8 : i64, sc.parallel_access}
      %dma_start3A_64 = arith.constant 0 : i32
      %dma_start3A_65 = tpu.memref_slice %arg6[%add3A, %dma_start3A_64] : memref<26x16384xf32, #tpu.memory_space<hbm>> -> memref<1x4096xf32, #tpu.memory_space<hbm>>
      %dma_start3A_66 = tpu.memref_squeeze %dma_start3A_65 : memref<1x4096xf32, #tpu.memory_space<hbm>> -> memref<4096xf32, #tpu.memory_space<hbm>>
      %dma_start3A_67 = arith.constant 0 : i32
      %dma_start3A_68 = tpu.memref_slice %arg6[%add3A, %dma_start3A_67] : memref<26x16384xf32, #tpu.memory_space<hbm>> -> memref<1x4096xf32, #tpu.memory_space<hbm>>
      %dma_start3A_69 = tpu.memref_squeeze %dma_start3A_68 : memref<1x4096xf32, #tpu.memory_space<hbm>> -> memref<4096xf32, #tpu.memory_space<hbm>>
      tpu.enqueue_dma source(%arg9 : memref<4096xf32, #tpu.memory_space<vmem>>) target(%dma_start3A_69 : memref<4096xf32, #tpu.memory_space<hbm>>) target_semaphore(%arg13 : memref<!tpu.dma_semaphore, #tpu.memory_space<semaphore_mem>>)
      %parallel_loop3A_70 = arith.constant 0 : i32
      %parallel_loop3A_71 = arith.constant 256 : i32
      %parallel_loop3A_72 = arith.constant 1 : i32
      scf.for %parallel_loop3A_111 = %parallel_loop3A_70 to %parallel_loop3A_71 step %parallel_loop3A_72  : i32 {
        %parallel_loop3A_112 = arith.constant 16 : i32
        %parallel_loop3A_113 = arith.muli %parallel_loop3A_111, %parallel_loop3A_112 : i32
        %parallel_loop3A_114 = arith.constant 4096 : i32
        %parallel_loop3A_115 = arith.addi %parallel_loop3A_114, %parallel_loop3A_113 : i32
        %parallel_loop3A_116 = arith.index_cast %parallel_loop3A_115 : i32 to index
        %parallel_loop3A_117 = tpu.vector_load %arg8[%parallel_loop3A_116] {strides = array<i32>} : memref<16384xi32, #tpu.memory_space<vmem>>, vector<16xi32>,
        %parallel_loop3A_118 = tpu.vector_load_idx %arg7[%parallel_loop3A_117] : memref<100000xf32, #tpu.memory_space<vmem>>[vector<16xi32>], vector<16xf32>,
        %parallel_loop3A_119 = arith.constant 16 : i32
        %parallel_loop3A_120 = arith.muli %parallel_loop3A_111, %parallel_loop3A_119 : i32
        %parallel_loop3A_121 = arith.index_cast %parallel_loop3A_120 : i32 to index
        %parallel_loop3A_122 = tpu.vector_load %arg10[%parallel_loop3A_121] {strides = array<i32>} : memref<4096xf32, #tpu.memory_space<vmem>>, vector<16xf32>,
        tpu.vector_store %arg10[%parallel_loop3A_121], %parallel_loop3A_118 {strides = array<i32>} : memref<4096xf32, #tpu.memory_space<vmem>>, vector<16xf32>,
      } {sc.loop_unroll_factor = 8 : i64, sc.parallel_access}
      %dma_start3A_73 = arith.constant 4096 : i32
      %dma_start3A_74 = tpu.memref_slice %arg6[%add3A, %dma_start3A_73] : memref<26x16384xf32, #tpu.memory_space<hbm>> -> memref<1x4096xf32, #tpu.memory_space<hbm>>
      %dma_start3A_75 = tpu.memref_squeeze %dma_start3A_74 : memref<1x4096xf32, #tpu.memory_space<hbm>> -> memref<4096xf32, #tpu.memory_space<hbm>>
      %dma_start3A_76 = arith.constant 4096 : i32
      %dma_start3A_77 = tpu.memref_slice %arg6[%add3A, %dma_start3A_76] : memref<26x16384xf32, #tpu.memory_space<hbm>> -> memref<1x4096xf32, #tpu.memory_space<hbm>>
      %dma_start3A_78 = tpu.memref_squeeze %dma_start3A_77 : memref<1x4096xf32, #tpu.memory_space<hbm>> -> memref<4096xf32, #tpu.memory_space<hbm>>
      tpu.enqueue_dma source(%arg10 : memref<4096xf32, #tpu.memory_space<vmem>>) target(%dma_start3A_78 : memref<4096xf32, #tpu.memory_space<hbm>>) target_semaphore(%arg13 : memref<!tpu.dma_semaphore, #tpu.memory_space<semaphore_mem>>)
      %dma_wait3A_79 = arith.constant 0 : i32
      %dma_wait3A_80 = arith.constant 0 : i32
      %dma_wait3A_81 = tpu.memref_slice %arg5[%dma_wait3A_79, %dma_wait3A_80] : memref<416x16384xf32, #tpu.memory_space<hbm>> -> memref<1x4096xf32, #tpu.memory_space<hbm>>
      %dma_wait3A_82 = tpu.memref_squeeze %dma_wait3A_81 : memref<1x4096xf32, #tpu.memory_space<hbm>> -> memref<4096xf32, #tpu.memory_space<hbm>>
      %dma_wait3A_83 = arith.constant 0 : i32
      %dma_wait3A_84 = tpu.memref_slice %arg5[%dma_wait3A_79, %dma_wait3A_83] : memref<416x16384xf32, #tpu.memory_space<hbm>> -> memref<1x4096xf32, #tpu.memory_space<hbm>>
      %dma_wait3A_85 = tpu.memref_squeeze %dma_wait3A_84 : memref<1x4096xf32, #tpu.memory_space<hbm>> -> memref<4096xf32, #tpu.memory_space<hbm>>
      tpu.wait_dma2 semaphore(%arg13 : memref<!tpu.dma_semaphore, #tpu.memory_space<semaphore_mem>>) src(%arg9 : memref<4096xf32, #tpu.memory_space<vmem>>) dst(%dma_wait3A_85 : memref<4096xf32, #tpu.memory_space<hbm>>)
      %parallel_loop3A_86 = arith.constant 0 : i32
      %parallel_loop3A_87 = arith.constant 256 : i32
      %parallel_loop3A_88 = arith.constant 1 : i32
      scf.for %parallel_loop3A_111 = %parallel_loop3A_86 to %parallel_loop3A_87 step %parallel_loop3A_88  : i32 {
        %parallel_loop3A_112 = arith.constant 16 : i32
        %parallel_loop3A_113 = arith.muli %parallel_loop3A_111, %parallel_loop3A_112 : i32
        %parallel_loop3A_114 = arith.constant 8192 : i32
        %parallel_loop3A_115 = arith.addi %parallel_loop3A_114, %parallel_loop3A_113 : i32
        %parallel_loop3A_116 = arith.index_cast %parallel_loop3A_115 : i32 to index
        %parallel_loop3A_117 = tpu.vector_load %arg8[%parallel_loop3A_116] {strides = array<i32>} : memref<16384xi32, #tpu.memory_space<vmem>>, vector<16xi32>,
        %parallel_loop3A_118 = tpu.vector_load_idx %arg7[%parallel_loop3A_117] : memref<100000xf32, #tpu.memory_space<vmem>>[vector<16xi32>], vector<16xf32>,
        %parallel_loop3A_119 = arith.constant 16 : i32
        %parallel_loop3A_120 = arith.muli %parallel_loop3A_111, %parallel_loop3A_119 : i32
        %parallel_loop3A_121 = arith.index_cast %parallel_loop3A_120 : i32 to index
        %parallel_loop3A_122 = tpu.vector_load %arg9[%parallel_loop3A_121] {strides = array<i32>} : memref<4096xf32, #tpu.memory_space<vmem>>, vector<16xf32>,
        tpu.vector_store %arg9[%parallel_loop3A_121], %parallel_loop3A_118 {strides = array<i32>} : memref<4096xf32, #tpu.memory_space<vmem>>, vector<16xf32>,
      } {sc.loop_unroll_factor = 8 : i64, sc.parallel_access}
      %dma_start3A_89 = arith.constant 8192 : i32
      %dma_start3A_90 = tpu.memref_slice %arg6[%add3A, %dma_start3A_89] : memref<26x16384xf32, #tpu.memory_space<hbm>> -> memref<1x4096xf32, #tpu.memory_space<hbm>>
      %dma_start3A_91 = tpu.memref_squeeze %dma_start3A_90 : memref<1x4096xf32, #tpu.memory_space<hbm>> -> memref<4096xf32, #tpu.memory_space<hbm>>
      %dma_start3A_92 = arith.constant 8192 : i32
      %dma_start3A_93 = tpu.memref_slice %arg6[%add3A, %dma_start3A_92] : memref<26x16384xf32, #tpu.memory_space<hbm>> -> memref<1x4096xf32, #tpu.memory_space<hbm>>
      %dma_start3A_94 = tpu.memref_squeeze %dma_start3A_93 : memref<1x4096xf32, #tpu.memory_space<hbm>> -> memref<4096xf32, #tpu.memory_space<hbm>>
      tpu.enqueue_dma source(%arg9 : memref<4096xf32, #tpu.memory_space<vmem>>) target(%dma_start3A_94 : memref<4096xf32, #tpu.memory_space<hbm>>) target_semaphore(%arg13 : memref<!tpu.dma_semaphore, #tpu.memory_space<semaphore_mem>>)
      %dma_wait3A_95 = arith.constant 0 : i32
      %dma_wait3A_96 = arith.constant 0 : i32
      %dma_wait3A_97 = tpu.memref_slice %arg5[%dma_wait3A_95, %dma_wait3A_96] : memref<416x16384xf32, #tpu.memory_space<hbm>> -> memref<1x4096xf32, #tpu.memory_space<hbm>>
      %dma_wait3A_98 = tpu.memref_squeeze %dma_wait3A_97 : memref<1x4096xf32, #tpu.memory_space<hbm>> -> memref<4096xf32, #tpu.memory_space<hbm>>
      %dma_wait3A_99 = arith.constant 0 : i32
      %dma_wait3A_100 = tpu.memref_slice %arg5[%dma_wait3A_95, %dma_wait3A_99] : memref<416x16384xf32, #tpu.memory_space<hbm>> -> memref<1x4096xf32, #tpu.memory_space<hbm>>
      %dma_wait3A_101 = tpu.memref_squeeze %dma_wait3A_100 : memref<1x4096xf32, #tpu.memory_space<hbm>> -> memref<4096xf32, #tpu.memory_space<hbm>>
      tpu.wait_dma2 semaphore(%arg13 : memref<!tpu.dma_semaphore, #tpu.memory_space<semaphore_mem>>) src(%arg9 : memref<4096xf32, #tpu.memory_space<vmem>>) dst(%dma_wait3A_101 : memref<4096xf32, #tpu.memory_space<hbm>>)
      %parallel_loop3A_102 = arith.constant 0 : i32
      %parallel_loop3A_103 = arith.constant 256 : i32
      %parallel_loop3A_104 = arith.constant 1 : i32
      scf.for %parallel_loop3A_111 = %parallel_loop3A_102 to %parallel_loop3A_103 step %parallel_loop3A_104  : i32 {
        %parallel_loop3A_112 = arith.constant 16 : i32
        %parallel_loop3A_113 = arith.muli %parallel_loop3A_111, %parallel_loop3A_112 : i32
        %parallel_loop3A_114 = arith.constant 12288 : i32
        %parallel_loop3A_115 = arith.addi %parallel_loop3A_114, %parallel_loop3A_113 : i32
        %parallel_loop3A_116 = arith.index_cast %parallel_loop3A_115 : i32 to index
        %parallel_loop3A_117 = tpu.vector_load %arg8[%parallel_loop3A_116] {strides = array<i32>} : memref<16384xi32, #tpu.memory_space<vmem>>, vector<16xi32>,
        %parallel_loop3A_118 = tpu.vector_load_idx %arg7[%parallel_loop3A_117] : memref<100000xf32, #tpu.memory_space<vmem>>[vector<16xi32>], vector<16xf32>,
        %parallel_loop3A_119 = arith.constant 16 : i32
        %parallel_loop3A_120 = arith.muli %parallel_loop3A_111, %parallel_loop3A_119 : i32
        %parallel_loop3A_121 = arith.index_cast %parallel_loop3A_120 : i32 to index
        %parallel_loop3A_122 = tpu.vector_load %arg10[%parallel_loop3A_121] {strides = array<i32>} : memref<4096xf32, #tpu.memory_space<vmem>>, vector<16xf32>,
        tpu.vector_store %arg10[%parallel_loop3A_121], %parallel_loop3A_118 {strides = array<i32>} : memref<4096xf32, #tpu.memory_space<vmem>>, vector<16xf32>,
      } {sc.loop_unroll_factor = 8 : i64, sc.parallel_access}
      %dma_start3A_105 = arith.constant 12288 : i32
      %dma_start3A_106 = tpu.memref_slice %arg6[%add3A, %dma_start3A_105] : memref<26x16384xf32, #tpu.memory_space<hbm>> -> memref<1x4096xf32, #tpu.memory_space<hbm>>
      %dma_start3A_107 = tpu.memref_squeeze %dma_start3A_106 : memref<1x4096xf32, #tpu.memory_space<hbm>> -> memref<4096xf32, #tpu.memory_space<hbm>>
      %dma_start3A_108 = arith.constant 12288 : i32
      %dma_start3A_109 = tpu.memref_slice %arg6[%add3A, %dma_start3A_108] : memref<26x16384xf32, #tpu.memory_space<hbm>> -> memref<1x4096xf32, #tpu.memory_space<hbm>>
      %dma_start3A_110 = tpu.memref_squeeze %dma_start3A_109 : memref<1x4096xf32, #tpu.memory_space<hbm>> -> memref<4096xf32, #tpu.memory_space<hbm>>
      tpu.enqueue_dma source(%arg10 : memref<4096xf32, #tpu.memory_space<vmem>>) target(%dma_start3A_110 : memref<4096xf32, #tpu.memory_space<hbm>>) target_semaphore(%arg13 : memref<!tpu.dma_semaphore, #tpu.memory_space<semaphore_mem>>)
    } else {
    }
    %ge3A = arith.constant 26 : i32
    %ge3A_3 = arith.cmpi sge, %add3A, %ge3A : i32
    %convert_element_type3A_4 = arith.extui %ge3A_3 : i1 to i32
    %cond3A_5 = arith.constant 0 : i32
    %cond3A_6 = arith.cmpi ne, %convert_element_type3A_4, %cond3A_5 : i32
    scf.if %cond3A_6 {
      %scan3A = arith.constant 0 : i32
      %scan3A_20 = arith.constant 0 : i32
      %scan3A_21 = arith.constant 13 : i32
      %scan3A_22 = arith.addi %scan3A_20, %scan3A_21 : i32
      %scan3A_23 = arith.constant 1 : i32
      scf.for %scan3A_25 = %scan3A_20 to %scan3A_22 step %scan3A_23  : i32 {
        %sub3A = arith.constant 26 : i32
        %sub3A_26 = arith.subi %add3A, %sub3A : i32
        %mul3A_27 = arith.constant 13 : i32
        %mul3A_28 = arith.muli %sub3A_26, %mul3A_27 : i32
        %add3A_29 = arith.constant 338 : i32
        %add3A_30 = arith.addi %add3A_29, %mul3A_28 : i32
        %add3A_31 = arith.addi %add3A_30, %scan3A_25 : i32
        %rem3A = arith.constant 26 : i32
        %rem3A_32 = arith.remsi %add3A_31, %rem3A : i32
        %eq3A = arith.constant 0 : i32
        %eq3A_33 = arith.cmpi eq, %scan3A_25, %eq3A : i32
        %mul3A_34 = arith.constant 16 : i32
        %mul3A_35 = arith.muli %rem3A_32, %mul3A_34 : i32
        %jit3A = arith.constant 26 : i32
        %div3A = arith.divsi %add3A_31, %jit3A : i32
        %sign3A = arith.constant 0 : i32
        %sign3A_36 = arith.cmpi sgt, %add3A_31, %sign3A : i32
        %sign3A_37 = arith.extui %sign3A_36 : i1 to i32
        %sign3A_38 = arith.constant 0 : i32
        %sign3A_39 = arith.cmpi slt, %add3A_31, %sign3A_38 : i32
        %sign3A_40 = arith.extui %sign3A_39 : i1 to i32
        %sign3A_41 = arith.subi %sign3A_37, %sign3A_40 : i32
        %sign3A_42 = arith.constant 0 : i32
        %sign3A_43 = arith.cmpi sgt, %jit3A, %sign3A_42 : i32
        %sign3A_44 = arith.extui %sign3A_43 : i1 to i32
        %sign3A_45 = arith.constant 0 : i32
        %sign3A_46 = arith.cmpi slt, %jit3A, %sign3A_45 : i32
        %sign3A_47 = arith.extui %sign3A_46 : i1 to i32
        %sign3A_48 = arith.subi %sign3A_44, %sign3A_47 : i32
        %ne3A = arith.cmpi ne, %sign3A_41, %sign3A_48 : i32
        %rem3A_49 = arith.remsi %add3A_31, %jit3A : i32
        %ne3A_50 = arith.constant 0 : i32
        %ne3A_51 = arith.cmpi ne, %rem3A_49, %ne3A_50 : i32
        %and3A = arith.andi %ne3A, %ne3A_51 : i1
        %sub3A_52 = arith.constant 1 : i32
        %sub3A_53 = arith.subi %div3A, %sub3A_52 : i32
        %select_n3A = arith.select %and3A, %sub3A_53, %div3A : i32
        %add3A_54 = arith.addi %mul3A_35, %select_n3A : i32
        %dma_start3A = arith.constant 0 : i32
        %dma_start3A_55 = tpu.memref_slice %arg2[%add3A_54, %dma_start3A] : memref<416x100000xf32, #tpu.memory_space<hbm>> -> memref<1x100000xf32, #tpu.memory_space<hbm>>
        %dma_start3A_56 = tpu.memref_squeeze %dma_start3A_55 : memref<1x100000xf32, #tpu.memory_space<hbm>> -> memref<100000xf32, #tpu.memory_space<hbm>>
        %dma_start3A_57 = arith.constant 0 : i32
        %dma_start3A_58 = tpu.memref_slice %arg2[%add3A_54, %dma_start3A_57] : memref<416x100000xf32, #tpu.memory_space<hbm>> -> memref<1x100000xf32, #tpu.memory_space<hbm>>
        %dma_start3A_59 = tpu.memref_squeeze %dma_start3A_58 : memref<1x100000xf32, #tpu.memory_space<hbm>> -> memref<100000xf32, #tpu.memory_space<hbm>>
        tpu.enqueue_dma source(%dma_start3A_59 : memref<100000xf32, #tpu.memory_space<hbm>>) target(%arg7 : memref<100000xf32, #tpu.memory_space<vmem>>) target_semaphore(%arg11 : memref<!tpu.dma_semaphore, #tpu.memory_space<semaphore_mem>>)
        %dma_start3A_60 = arith.constant 0 : i32
        %dma_start3A_61 = tpu.memref_slice %arg4[%rem3A_32, %dma_start3A_60] : memref<26x16384xi32, #tpu.memory_space<hbm>> -> memref<1x16384xi32, #tpu.memory_space<hbm>>
        %dma_start3A_62 = tpu.memref_squeeze %dma_start3A_61 : memref<1x16384xi32, #tpu.memory_space<hbm>> -> memref<16384xi32, #tpu.memory_space<hbm>>
        %dma_start3A_63 = arith.constant 0 : i32
        %dma_start3A_64 = tpu.memref_slice %arg4[%rem3A_32, %dma_start3A_63] : memref<26x16384xi32, #tpu.memory_space<hbm>> -> memref<1x16384xi32, #tpu.memory_space<hbm>>
        %dma_start3A_65 = tpu.memref_squeeze %dma_start3A_64 : memref<1x16384xi32, #tpu.memory_space<hbm>> -> memref<16384xi32, #tpu.memory_space<hbm>>
        tpu.enqueue_dma source(%dma_start3A_65 : memref<16384xi32, #tpu.memory_space<hbm>>) target(%arg8 : memref<16384xi32, #tpu.memory_space<vmem>>) target_semaphore(%arg12 : memref<!tpu.dma_semaphore, #tpu.memory_space<semaphore_mem>>)
        %not3A = arith.constant true
        %not3A_66 = arith.xori %eq3A_33, %not3A : i1
        %convert_element_type3A_67 = arith.extui %not3A_66 : i1 to i32
        %cond3A_68 = arith.constant 0 : i32
        %cond3A_69 = arith.cmpi ne, %convert_element_type3A_67, %cond3A_68 : i32
        scf.if %cond3A_69 {
          %dma_wait3A_131 = arith.constant 0 : i32
          %dma_wait3A_132 = arith.constant 0 : i32
          %dma_wait3A_133 = tpu.memref_slice %arg5[%dma_wait3A_131, %dma_wait3A_132] : memref<416x16384xf32, #tpu.memory_space<hbm>> -> memref<1x4096xf32, #tpu.memory_space<hbm>>
          %dma_wait3A_134 = tpu.memref_squeeze %dma_wait3A_133 : memref<1x4096xf32, #tpu.memory_space<hbm>> -> memref<4096xf32, #tpu.memory_space<hbm>>
          %dma_wait3A_135 = arith.constant 0 : i32
          %dma_wait3A_136 = tpu.memref_slice %arg5[%dma_wait3A_131, %dma_wait3A_135] : memref<416x16384xf32, #tpu.memory_space<hbm>> -> memref<1x4096xf32, #tpu.memory_space<hbm>>
          %dma_wait3A_137 = tpu.memref_squeeze %dma_wait3A_136 : memref<1x4096xf32, #tpu.memory_space<hbm>> -> memref<4096xf32, #tpu.memory_space<hbm>>
          tpu.wait_dma2 semaphore(%arg13 : memref<!tpu.dma_semaphore, #tpu.memory_space<semaphore_mem>>) src(%arg9 : memref<4096xf32, #tpu.memory_space<vmem>>) dst(%dma_wait3A_137 : memref<4096xf32, #tpu.memory_space<hbm>>)
          %dma_wait3A_138 = arith.constant 0 : i32
          %dma_wait3A_139 = arith.constant 0 : i32
          %dma_wait3A_140 = tpu.memref_slice %arg5[%dma_wait3A_138, %dma_wait3A_139] : memref<416x16384xf32, #tpu.memory_space<hbm>> -> memref<1x4096xf32, #tpu.memory_space<hbm>>
          %dma_wait3A_141 = tpu.memref_squeeze %dma_wait3A_140 : memref<1x4096xf32, #tpu.memory_space<hbm>> -> memref<4096xf32, #tpu.memory_space<hbm>>
          %dma_wait3A_142 = arith.constant 0 : i32
          %dma_wait3A_143 = tpu.memref_slice %arg5[%dma_wait3A_138, %dma_wait3A_142] : memref<416x16384xf32, #tpu.memory_space<hbm>> -> memref<1x4096xf32, #tpu.memory_space<hbm>>
          %dma_wait3A_144 = tpu.memref_squeeze %dma_wait3A_143 : memref<1x4096xf32, #tpu.memory_space<hbm>> -> memref<4096xf32, #tpu.memory_space<hbm>>
          tpu.wait_dma2 semaphore(%arg13 : memref<!tpu.dma_semaphore, #tpu.memory_space<semaphore_mem>>) src(%arg9 : memref<4096xf32, #tpu.memory_space<vmem>>) dst(%dma_wait3A_144 : memref<4096xf32, #tpu.memory_space<hbm>>)
        } else {
        }
        %dma_wait3A_70 = arith.constant 0 : i32
        %dma_wait3A_71 = tpu.memref_slice %arg2[%add3A_54, %dma_wait3A_70] : memref<416x100000xf32, #tpu.memory_space<hbm>> -> memref<1x100000xf32, #tpu.memory_space<hbm>>
        %dma_wait3A_72 = tpu.memref_squeeze %dma_wait3A_71 : memref<1x100000xf32, #tpu.memory_space<hbm>> -> memref<100000xf32, #tpu.memory_space<hbm>>
        %dma_wait3A_73 = arith.constant 0 : i32
        %dma_wait3A_74 = tpu.memref_slice %arg2[%add3A_54, %dma_wait3A_73] : memref<416x100000xf32, #tpu.memory_space<hbm>> -> memref<1x100000xf32, #tpu.memory_space<hbm>>
        %dma_wait3A_75 = tpu.memref_squeeze %dma_wait3A_74 : memref<1x100000xf32, #tpu.memory_space<hbm>> -> memref<100000xf32, #tpu.memory_space<hbm>>
        tpu.wait_dma2 semaphore(%arg11 : memref<!tpu.dma_semaphore, #tpu.memory_space<semaphore_mem>>) src(%dma_wait3A_75 : memref<100000xf32, #tpu.memory_space<hbm>>) dst(%arg7 : memref<100000xf32, #tpu.memory_space<vmem>>)
        %dma_wait3A_76 = arith.constant 0 : i32
        %dma_wait3A_77 = tpu.memref_slice %arg4[%rem3A_32, %dma_wait3A_76] : memref<26x16384xi32, #tpu.memory_space<hbm>> -> memref<1x16384xi32, #tpu.memory_space<hbm>>
        %dma_wait3A_78 = tpu.memref_squeeze %dma_wait3A_77 : memref<1x16384xi32, #tpu.memory_space<hbm>> -> memref<16384xi32, #tpu.memory_space<hbm>>
        %dma_wait3A_79 = arith.constant 0 : i32
        %dma_wait3A_80 = tpu.memref_slice %arg4[%rem3A_32, %dma_wait3A_79] : memref<26x16384xi32, #tpu.memory_space<hbm>> -> memref<1x16384xi32, #tpu.memory_space<hbm>>
        %dma_wait3A_81 = tpu.memref_squeeze %dma_wait3A_80 : memref<1x16384xi32, #tpu.memory_space<hbm>> -> memref<16384xi32, #tpu.memory_space<hbm>>
        tpu.wait_dma2 semaphore(%arg12 : memref<!tpu.dma_semaphore, #tpu.memory_space<semaphore_mem>>) src(%dma_wait3A_81 : memref<16384xi32, #tpu.memory_space<hbm>>) dst(%arg8 : memref<16384xi32, #tpu.memory_space<vmem>>)
        %parallel_loop3A = arith.constant 0 : i32
        %parallel_loop3A_82 = arith.constant 256 : i32
        %parallel_loop3A_83 = arith.constant 1 : i32
        scf.for %parallel_loop3A_131 = %parallel_loop3A to %parallel_loop3A_82 step %parallel_loop3A_83  : i32 {
          %parallel_loop3A_132 = arith.constant 16 : i32
          %parallel_loop3A_133 = arith.muli %parallel_loop3A_131, %parallel_loop3A_132 : i32
          %parallel_loop3A_134 = arith.constant 0 : i32
          %parallel_loop3A_135 = arith.addi %parallel_loop3A_134, %parallel_loop3A_133 : i32
          %parallel_loop3A_136 = arith.index_cast %parallel_loop3A_135 : i32 to index
          %parallel_loop3A_137 = tpu.vector_load %arg8[%parallel_loop3A_136] {strides = array<i32>} : memref<16384xi32, #tpu.memory_space<vmem>>, vector<16xi32>,
          %parallel_loop3A_138 = tpu.vector_load_idx %arg7[%parallel_loop3A_137] : memref<100000xf32, #tpu.memory_space<vmem>>[vector<16xi32>], vector<16xf32>,
          %parallel_loop3A_139 = arith.constant 16 : i32
          %parallel_loop3A_140 = arith.muli %parallel_loop3A_131, %parallel_loop3A_139 : i32
          %parallel_loop3A_141 = arith.index_cast %parallel_loop3A_140 : i32 to index
          %parallel_loop3A_142 = tpu.vector_load %arg9[%parallel_loop3A_141] {strides = array<i32>} : memref<4096xf32, #tpu.memory_space<vmem>>, vector<16xf32>,
          tpu.vector_store %arg9[%parallel_loop3A_141], %parallel_loop3A_138 {strides = array<i32>} : memref<4096xf32, #tpu.memory_space<vmem>>, vector<16xf32>,
        } {sc.loop_unroll_factor = 8 : i64, sc.parallel_access}
        %dma_start3A_84 = arith.constant 0 : i32
        %dma_start3A_85 = tpu.memref_slice %arg5[%add3A_31, %dma_start3A_84] : memref<416x16384xf32, #tpu.memory_space<hbm>> -> memref<1x4096xf32, #tpu.memory_space<hbm>>
        %dma_start3A_86 = tpu.memref_squeeze %dma_start3A_85 : memref<1x4096xf32, #tpu.memory_space<hbm>> -> memref<4096xf32, #tpu.memory_space<hbm>>
        %dma_start3A_87 = arith.constant 0 : i32
        %dma_start3A_88 = tpu.memref_slice %arg5[%add3A_31, %dma_start3A_87] : memref<416x16384xf32, #tpu.memory_space<hbm>> -> memref<1x4096xf32, #tpu.memory_space<hbm>>
        %dma_start3A_89 = tpu.memref_squeeze %dma_start3A_88 : memref<1x4096xf32, #tpu.memory_space<hbm>> -> memref<4096xf32, #tpu.memory_space<hbm>>
        tpu.enqueue_dma source(%arg9 : memref<4096xf32, #tpu.memory_space<vmem>>) target(%dma_start3A_89 : memref<4096xf32, #tpu.memory_space<hbm>>) target_semaphore(%arg13 : memref<!tpu.dma_semaphore, #tpu.memory_space<semaphore_mem>>)
        %parallel_loop3A_90 = arith.constant 0 : i32
        %parallel_loop3A_91 = arith.constant 256 : i32
        %parallel_loop3A_92 = arith.constant 1 : i32
        scf.for %parallel_loop3A_131 = %parallel_loop3A_90 to %parallel_loop3A_91 step %parallel_loop3A_92  : i32 {
          %parallel_loop3A_132 = arith.constant 16 : i32
          %parallel_loop3A_133 = arith.muli %parallel_loop3A_131, %parallel_loop3A_132 : i32
          %parallel_loop3A_134 = arith.constant 4096 : i32
          %parallel_loop3A_135 = arith.addi %parallel_loop3A_134, %parallel_loop3A_133 : i32
          %parallel_loop3A_136 = arith.index_cast %parallel_loop3A_135 : i32 to index
          %parallel_loop3A_137 = tpu.vector_load %arg8[%parallel_loop3A_136] {strides = array<i32>} : memref<16384xi32, #tpu.memory_space<vmem>>, vector<16xi32>,
          %parallel_loop3A_138 = tpu.vector_load_idx %arg7[%parallel_loop3A_137] : memref<100000xf32, #tpu.memory_space<vmem>>[vector<16xi32>], vector<16xf32>,
          %parallel_loop3A_139 = arith.constant 16 : i32
          %parallel_loop3A_140 = arith.muli %parallel_loop3A_131, %parallel_loop3A_139 : i32
          %parallel_loop3A_141 = arith.index_cast %parallel_loop3A_140 : i32 to index
          %parallel_loop3A_142 = tpu.vector_load %arg10[%parallel_loop3A_141] {strides = array<i32>} : memref<4096xf32, #tpu.memory_space<vmem>>, vector<16xf32>,
          tpu.vector_store %arg10[%parallel_loop3A_141], %parallel_loop3A_138 {strides = array<i32>} : memref<4096xf32, #tpu.memory_space<vmem>>, vector<16xf32>,
        } {sc.loop_unroll_factor = 8 : i64, sc.parallel_access}
        %dma_start3A_93 = arith.constant 4096 : i32
        %dma_start3A_94 = tpu.memref_slice %arg5[%add3A_31, %dma_start3A_93] : memref<416x16384xf32, #tpu.memory_space<hbm>> -> memref<1x4096xf32, #tpu.memory_space<hbm>>
        %dma_start3A_95 = tpu.memref_squeeze %dma_start3A_94 : memref<1x4096xf32, #tpu.memory_space<hbm>> -> memref<4096xf32, #tpu.memory_space<hbm>>
        %dma_start3A_96 = arith.constant 4096 : i32
        %dma_start3A_97 = tpu.memref_slice %arg5[%add3A_31, %dma_start3A_96] : memref<416x16384xf32, #tpu.memory_space<hbm>> -> memref<1x4096xf32, #tpu.memory_space<hbm>>
        %dma_start3A_98 = tpu.memref_squeeze %dma_start3A_97 : memref<1x4096xf32, #tpu.memory_space<hbm>> -> memref<4096xf32, #tpu.memory_space<hbm>>
        tpu.enqueue_dma source(%arg10 : memref<4096xf32, #tpu.memory_space<vmem>>) target(%dma_start3A_98 : memref<4096xf32, #tpu.memory_space<hbm>>) target_semaphore(%arg13 : memref<!tpu.dma_semaphore, #tpu.memory_space<semaphore_mem>>)
        %dma_wait3A_99 = arith.constant 0 : i32
        %dma_wait3A_100 = arith.constant 0 : i32
        %dma_wait3A_101 = tpu.memref_slice %arg5[%dma_wait3A_99, %dma_wait3A_100] : memref<416x16384xf32, #tpu.memory_space<hbm>> -> memref<1x4096xf32, #tpu.memory_space<hbm>>
        %dma_wait3A_102 = tpu.memref_squeeze %dma_wait3A_101 : memref<1x4096xf32, #tpu.memory_space<hbm>> -> memref<4096xf32, #tpu.memory_space<hbm>>
        %dma_wait3A_103 = arith.constant 0 : i32
        %dma_wait3A_104 = tpu.memref_slice %arg5[%dma_wait3A_99, %dma_wait3A_103] : memref<416x16384xf32, #tpu.memory_space<hbm>> -> memref<1x4096xf32, #tpu.memory_space<hbm>>
        %dma_wait3A_105 = tpu.memref_squeeze %dma_wait3A_104 : memref<1x4096xf32, #tpu.memory_space<hbm>> -> memref<4096xf32, #tpu.memory_space<hbm>>
        tpu.wait_dma2 semaphore(%arg13 : memref<!tpu.dma_semaphore, #tpu.memory_space<semaphore_mem>>) src(%arg9 : memref<4096xf32, #tpu.memory_space<vmem>>) dst(%dma_wait3A_105 : memref<4096xf32, #tpu.memory_space<hbm>>)
        %parallel_loop3A_106 = arith.constant 0 : i32
        %parallel_loop3A_107 = arith.constant 256 : i32
        %parallel_loop3A_108 = arith.constant 1 : i32
        scf.for %parallel_loop3A_131 = %parallel_loop3A_106 to %parallel_loop3A_107 step %parallel_loop3A_108  : i32 {
          %parallel_loop3A_132 = arith.constant 16 : i32
          %parallel_loop3A_133 = arith.muli %parallel_loop3A_131, %parallel_loop3A_132 : i32
          %parallel_loop3A_134 = arith.constant 8192 : i32
          %parallel_loop3A_135 = arith.addi %parallel_loop3A_134, %parallel_loop3A_133 : i32
          %parallel_loop3A_136 = arith.index_cast %parallel_loop3A_135 : i32 to index
          %parallel_loop3A_137 = tpu.vector_load %arg8[%parallel_loop3A_136] {strides = array<i32>} : memref<16384xi32, #tpu.memory_space<vmem>>, vector<16xi32>,
          %parallel_loop3A_138 = tpu.vector_load_idx %arg7[%parallel_loop3A_137] : memref<100000xf32, #tpu.memory_space<vmem>>[vector<16xi32>], vector<16xf32>,
          %parallel_loop3A_139 = arith.constant 16 : i32
          %parallel_loop3A_140 = arith.muli %parallel_loop3A_131, %parallel_loop3A_139 : i32
          %parallel_loop3A_141 = arith.index_cast %parallel_loop3A_140 : i32 to index
          %parallel_loop3A_142 = tpu.vector_load %arg9[%parallel_loop3A_141] {strides = array<i32>} : memref<4096xf32, #tpu.memory_space<vmem>>, vector<16xf32>,
          tpu.vector_store %arg9[%parallel_loop3A_141], %parallel_loop3A_138 {strides = array<i32>} : memref<4096xf32, #tpu.memory_space<vmem>>, vector<16xf32>,
        } {sc.loop_unroll_factor = 8 : i64, sc.parallel_access}
        %dma_start3A_109 = arith.constant 8192 : i32
        %dma_start3A_110 = tpu.memref_slice %arg5[%add3A_31, %dma_start3A_109] : memref<416x16384xf32, #tpu.memory_space<hbm>> -> memref<1x4096xf32, #tpu.memory_space<hbm>>
        %dma_start3A_111 = tpu.memref_squeeze %dma_start3A_110 : memref<1x4096xf32, #tpu.memory_space<hbm>> -> memref<4096xf32, #tpu.memory_space<hbm>>
        %dma_start3A_112 = arith.constant 8192 : i32
        %dma_start3A_113 = tpu.memref_slice %arg5[%add3A_31, %dma_start3A_112] : memref<416x16384xf32, #tpu.memory_space<hbm>> -> memref<1x4096xf32, #tpu.memory_space<hbm>>
        %dma_start3A_114 = tpu.memref_squeeze %dma_start3A_113 : memref<1x4096xf32, #tpu.memory_space<hbm>> -> memref<4096xf32, #tpu.memory_space<hbm>>
        tpu.enqueue_dma source(%arg9 : memref<4096xf32, #tpu.memory_space<vmem>>) target(%dma_start3A_114 : memref<4096xf32, #tpu.memory_space<hbm>>) target_semaphore(%arg13 : memref<!tpu.dma_semaphore, #tpu.memory_space<semaphore_mem>>)
        %dma_wait3A_115 = arith.constant 0 : i32
        %dma_wait3A_116 = arith.constant 0 : i32
        %dma_wait3A_117 = tpu.memref_slice %arg5[%dma_wait3A_115, %dma_wait3A_116] : memref<416x16384xf32, #tpu.memory_space<hbm>> -> memref<1x4096xf32, #tpu.memory_space<hbm>>
        %dma_wait3A_118 = tpu.memref_squeeze %dma_wait3A_117 : memref<1x4096xf32, #tpu.memory_space<hbm>> -> memref<4096xf32, #tpu.memory_space<hbm>>
        %dma_wait3A_119 = arith.constant 0 : i32
        %dma_wait3A_120 = tpu.memref_slice %arg5[%dma_wait3A_115, %dma_wait3A_119] : memref<416x16384xf32, #tpu.memory_space<hbm>> -> memref<1x4096xf32, #tpu.memory_space<hbm>>
        %dma_wait3A_121 = tpu.memref_squeeze %dma_wait3A_120 : memref<1x4096xf32, #tpu.memory_space<hbm>> -> memref<4096xf32, #tpu.memory_space<hbm>>
        tpu.wait_dma2 semaphore(%arg13 : memref<!tpu.dma_semaphore, #tpu.memory_space<semaphore_mem>>) src(%arg9 : memref<4096xf32, #tpu.memory_space<vmem>>) dst(%dma_wait3A_121 : memref<4096xf32, #tpu.memory_space<hbm>>)
        %parallel_loop3A_122 = arith.constant 0 : i32
        %parallel_loop3A_123 = arith.constant 256 : i32
        %parallel_loop3A_124 = arith.constant 1 : i32
        scf.for %parallel_loop3A_131 = %parallel_loop3A_122 to %parallel_loop3A_123 step %parallel_loop3A_124  : i32 {
          %parallel_loop3A_132 = arith.constant 16 : i32
          %parallel_loop3A_133 = arith.muli %parallel_loop3A_131, %parallel_loop3A_132 : i32
          %parallel_loop3A_134 = arith.constant 12288 : i32
          %parallel_loop3A_135 = arith.addi %parallel_loop3A_134, %parallel_loop3A_133 : i32
          %parallel_loop3A_136 = arith.index_cast %parallel_loop3A_135 : i32 to index
          %parallel_loop3A_137 = tpu.vector_load %arg8[%parallel_loop3A_136] {strides = array<i32>} : memref<16384xi32, #tpu.memory_space<vmem>>, vector<16xi32>,
          %parallel_loop3A_138 = tpu.vector_load_idx %arg7[%parallel_loop3A_137] : memref<100000xf32, #tpu.memory_space<vmem>>[vector<16xi32>], vector<16xf32>,
          %parallel_loop3A_139 = arith.constant 16 : i32
          %parallel_loop3A_140 = arith.muli %parallel_loop3A_131, %parallel_loop3A_139 : i32
          %parallel_loop3A_141 = arith.index_cast %parallel_loop3A_140 : i32 to index
          %parallel_loop3A_142 = tpu.vector_load %arg10[%parallel_loop3A_141] {strides = array<i32>} : memref<4096xf32, #tpu.memory_space<vmem>>, vector<16xf32>,
          tpu.vector_store %arg10[%parallel_loop3A_141], %parallel_loop3A_138 {strides = array<i32>} : memref<4096xf32, #tpu.memory_space<vmem>>, vector<16xf32>,
        } {sc.loop_unroll_factor = 8 : i64, sc.parallel_access}
        %dma_start3A_125 = arith.constant 12288 : i32
        %dma_start3A_126 = tpu.memref_slice %arg5[%add3A_31, %dma_start3A_125] : memref<416x16384xf32, #tpu.memory_space<hbm>> -> memref<1x4096xf32, #tpu.memory_space<hbm>>
        %dma_start3A_127 = tpu.memref_squeeze %dma_start3A_126 : memref<1x4096xf32, #tpu.memory_space<hbm>> -> memref<4096xf32, #tpu.memory_space<hbm>>
        %dma_start3A_128 = arith.constant 12288 : i32
        %dma_start3A_129 = tpu.memref_slice %arg5[%add3A_31, %dma_start3A_128] : memref<416x16384xf32, #tpu.memory_space<hbm>> -> memref<1x4096xf32, #tpu.memory_space<hbm>>
        %dma_start3A_130 = tpu.memref_squeeze %dma_start3A_129 : memref<1x4096xf32, #tpu.memory_space<hbm>> -> memref<4096xf32, #tpu.memory_space<hbm>>
        tpu.enqueue_dma source(%arg10 : memref<4096xf32, #tpu.memory_space<vmem>>) target(%dma_start3A_130 : memref<4096xf32, #tpu.memory_space<hbm>>) target_semaphore(%arg13 : memref<!tpu.dma_semaphore, #tpu.memory_space<semaphore_mem>>)
      }
      %scan3A_24 = arith.constant 13 : i32
    } else {
    }
    %dma_wait3A = arith.constant 0 : i32
    %dma_wait3A_7 = arith.constant 0 : i32
    %dma_wait3A_8 = tpu.memref_slice %arg5[%dma_wait3A, %dma_wait3A_7] : memref<416x16384xf32, #tpu.memory_space<hbm>> -> memref<1x4096xf32, #tpu.memory_space<hbm>>
    %dma_wait3A_9 = tpu.memref_squeeze %dma_wait3A_8 : memref<1x4096xf32, #tpu.memory_space<hbm>> -> memref<4096xf32, #tpu.memory_space<hbm>>
    %dma_wait3A_10 = arith.constant 0 : i32
    %dma_wait3A_11 = tpu.memref_slice %arg5[%dma_wait3A, %dma_wait3A_10] : memref<416x16384xf32, #tpu.memory_space<hbm>> -> memref<1x4096xf32, #tpu.memory_space<hbm>>
    %dma_wait3A_12 = tpu.memref_squeeze %dma_wait3A_11 : memref<1x4096xf32, #tpu.memory_space<hbm>> -> memref<4096xf32, #tpu.memory_space<hbm>>
    tpu.wait_dma2 semaphore(%arg13 : memref<!tpu.dma_semaphore, #tpu.memory_space<semaphore_mem>>) src(%arg9 : memref<4096xf32, #tpu.memory_space<vmem>>) dst(%dma_wait3A_12 : memref<4096xf32, #tpu.memory_space<hbm>>)
    %dma_wait3A_13 = arith.constant 0 : i32
    %dma_wait3A_14 = arith.constant 0 : i32
    %dma_wait3A_15 = tpu.memref_slice %arg5[%dma_wait3A_13, %dma_wait3A_14] : memref<416x16384xf32, #tpu.memory_space<hbm>> -> memref<1x4096xf32, #tpu.memory_space<hbm>>
    %dma_wait3A_16 = tpu.memref_squeeze %dma_wait3A_15 : memref<1x4096xf32, #tpu.memory_space<hbm>> -> memref<4096xf32, #tpu.memory_space<hbm>>
    %dma_wait3A_17 = arith.constant 0 : i32
    %dma_wait3A_18 = tpu.memref_slice %arg5[%dma_wait3A_13, %dma_wait3A_17] : memref<416x16384xf32, #tpu.memory_space<hbm>> -> memref<1x4096xf32, #tpu.memory_space<hbm>>
    %dma_wait3A_19 = tpu.memref_squeeze %dma_wait3A_18 : memref<1x4096xf32, #tpu.memory_space<hbm>> -> memref<4096xf32, #tpu.memory_space<hbm>>
    tpu.wait_dma2 semaphore(%arg13 : memref<!tpu.dma_semaphore, #tpu.memory_space<semaphore_mem>>) src(%arg9 : memref<4096xf32, #tpu.memory_space<vmem>>) dst(%dma_wait3A_19 : memref<4096xf32, #tpu.memory_space<hbm>>)
    return
  }
}

module attributes {stable_mosaic.version = 14 : i64} {
  func.func @_pass_a_body(%arg0: i32, %arg1: memref<416x4096xf32, #tpu.memory_space<vmem>>, %arg2: memref<26x4096xf32, #tpu.memory_space<vmem>>, %arg3: memref<26x4096xf32, #tpu.memory_space<vmem>>, %arg4: memref<32x416xf32, #tpu.memory_space<vmem>>, %arg5: memref<32x1xf32, #tpu.memory_space<vmem>>, %arg6: memref<16x416xf32, #tpu.memory_space<vmem>>, %arg7: memref<32x4096xf32, #tpu.memory_space<vmem>>, %arg8: memref<1x4096xf32, #tpu.memory_space<vmem>>, %arg9: memref<32x32xf32, #tpu.memory_space<vmem>>, %arg10: memref<32x1xf32, #tpu.memory_space<vmem>>) attributes {dimension_semantics = [#tpu.dimension_semantics<arbitrary>], iteration_bounds = array<i64: 4>, scalar_prefetch = 0 : i64, scratch_operands = 0 : i64, tpu.core_type = #tpu.core_type<tc>, window_params = [{transform_indices = @transform_0, window_bounds = array<i64: 416, 4096>}, {transform_indices = @transform_1, window_bounds = array<i64: 26, 4096>}, {transform_indices = @transform_2, window_bounds = array<i64: 26, 4096>}, {pipeline_mode = #tpu.pipeline_mode<synchronous>, transform_indices = @transform_3, window_bounds = array<i64: 32, 416>}, {pipeline_mode = #tpu.pipeline_mode<synchronous>, transform_indices = @transform_4, window_bounds = array<i64: 32, 1>}, {pipeline_mode = #tpu.pipeline_mode<synchronous>, transform_indices = @transform_5, window_bounds = array<i64: 16, 416>}, {transform_indices = @transform_6, window_bounds = array<i64: 32, 4096>}, {transform_indices = @transform_7, window_bounds = array<i64: 1, 4096>}, {pipeline_mode = #tpu.pipeline_mode<synchronous>, transform_indices = @transform_8, window_bounds = array<i64: 32, 32>}, {pipeline_mode = #tpu.pipeline_mode<synchronous>, transform_indices = @transform_9, window_bounds = array<i64: 32, 1>}]} {
    %get3A = arith.constant 0 : index
    %get3A_0 = arith.constant 0 : index
    %get3A_1 = vector.load %arg3[%get3A, %get3A_0] : memref<26x4096xf32, #tpu.memory_space<vmem>>, vector<26x4096xf32>
    %concatenate3A = tpu.concatenate %get3A_1, %get3A_1, %get3A_1, %get3A_1, %get3A_1, %get3A_1, %get3A_1, %get3A_1, %get3A_1, %get3A_1, %get3A_1, %get3A_1, %get3A_1, %get3A_1, %get3A_1, %get3A_1 in 0 : vector<26x4096xf32>, vector<26x4096xf32>, vector<26x4096xf32>, vector<26x4096xf32>, vector<26x4096xf32>, vector<26x4096xf32>, vector<26x4096xf32>, vector<26x4096xf32>, vector<26x4096xf32>, vector<26x4096xf32>, vector<26x4096xf32>, vector<26x4096xf32>, vector<26x4096xf32>, vector<26x4096xf32>, vector<26x4096xf32>, vector<26x4096xf32> -> vector<416x4096xf32>
    %get3A_2 = arith.constant 0 : index
    %get3A_3 = arith.constant 0 : index
    %get3A_4 = vector.load %arg1[%get3A_2, %get3A_3] : memref<416x4096xf32, #tpu.memory_space<vmem>>, vector<416x4096xf32>
    %mul3A = arith.mulf %get3A_4, %concatenate3A : vector<416x4096xf32>
    %get3A_5 = arith.constant 0 : index
    %get3A_6 = arith.constant 0 : index
    %get3A_7 = vector.load %arg4[%get3A_5, %get3A_6] : memref<32x416xf32, #tpu.memory_space<vmem>>, vector<32x416xf32>
    %dot_general3A = arith.constant dense<0.000000e+00> : vector<32x4096xf32>
    %dot_general3A_8 = tpu.matmul %get3A_7, %mul3A, %dot_general3A {dimension_numbers = #tpu.dot_dimension_numbers<[1], [0], [0], [1], [0, 0, 1, 1], [], []>, precision = #tpu.contract_precision<fp32>, transpose_lhs_hint = false} : vector<32x416xf32>, vector<416x4096xf32>, vector<32x4096xf32> -> vector<32x4096xf32>
    %get3A_9 = arith.constant 0 : index
    %get3A_10 = arith.constant 0 : index
    %get3A_11 = vector.load %arg5[%get3A_9, %get3A_10] : memref<32x1xf32, #tpu.memory_space<vmem>>, vector<32x1xf32>
    %add3A = vector.broadcast %get3A_11 : vector<32x1xf32> to vector<32x4096xf32>
    %add3A_12 = arith.addf %dot_general3A_8, %add3A : vector<32x4096xf32>
    %swap3A = arith.constant 0 : index
    %swap3A_13 = arith.constant 0 : index
    %swap3A_14 = vector.load %arg7[%swap3A, %swap3A_13] : memref<32x4096xf32, #tpu.memory_space<vmem>>, vector<32x4096xf32>
    tpu.vector_store %arg7[%swap3A, %swap3A_13], %add3A_12 {strides = array<i32>} : memref<32x4096xf32, #tpu.memory_space<vmem>>, vector<32x4096xf32>,
    %get3A_15 = arith.constant 0 : index
    %get3A_16 = arith.constant 0 : index
    %get3A_17 = vector.load %arg6[%get3A_15, %get3A_16] : memref<16x416xf32, #tpu.memory_space<vmem>>, vector<16x416xf32>
    %dot_general3A_18 = arith.constant dense<0.000000e+00> : vector<16x4096xf32>
    %dot_general3A_19 = tpu.matmul %get3A_17, %mul3A, %dot_general3A_18 {dimension_numbers = #tpu.dot_dimension_numbers<[1], [0], [0], [1], [0, 0, 1, 1], [], []>, precision = #tpu.contract_precision<fp32>, transpose_lhs_hint = false} : vector<16x416xf32>, vector<416x4096xf32>, vector<16x4096xf32> -> vector<16x4096xf32>
    %mul3A_20 = arith.mulf %dot_general3A_19, %dot_general3A_19 : vector<16x4096xf32>
    %reduce_sum3A = arith.constant dense<0.000000e+00> : vector<4096xf32>
    %reduce_sum3A_21 = vector.multi_reduction <add>, %mul3A_20, %reduce_sum3A [0] : vector<16x4096xf32> to vector<4096xf32>
    %broadcast_in_dim3A = vector.shape_cast %reduce_sum3A_21 : vector<4096xf32> to vector<1x4096xf32>
    %mul3A_22 = arith.mulf %mul3A, %mul3A : vector<416x4096xf32>
    %reduce_sum3A_23 = arith.constant dense<0.000000e+00> : vector<4096xf32>
    %reduce_sum3A_24 = vector.multi_reduction <add>, %mul3A_22, %reduce_sum3A_23 [0] : vector<416x4096xf32> to vector<4096xf32>
    %broadcast_in_dim3A_25 = vector.shape_cast %reduce_sum3A_24 : vector<4096xf32> to vector<1x4096xf32>
    %sub3A = arith.subf %broadcast_in_dim3A, %broadcast_in_dim3A_25 : vector<1x4096xf32>
    %mul3A_26 = arith.constant 5.000000e-01 : f32
    %mul3A_27 = vector.broadcast %mul3A_26 : f32 to vector<1x4096xf32>
    %mul3A_28 = arith.mulf %mul3A_27, %sub3A : vector<1x4096xf32>
    %get3A_29 = arith.constant 0 : index
    %get3A_30 = arith.constant 0 : index
    %get3A_31 = vector.load %arg2[%get3A_29, %get3A_30] : memref<26x4096xf32, #tpu.memory_space<vmem>>, vector<26x4096xf32>
    %mul3A_32 = arith.mulf %get3A_31, %get3A_1 : vector<26x4096xf32>
    %reduce_sum3A_33 = arith.constant dense<0.000000e+00> : vector<4096xf32>
    %reduce_sum3A_34 = vector.multi_reduction <add>, %mul3A_32, %reduce_sum3A_33 [0] : vector<26x4096xf32> to vector<4096xf32>
    %broadcast_in_dim3A_35 = vector.shape_cast %reduce_sum3A_34 : vector<4096xf32> to vector<1x4096xf32>
    %add3A_36 = arith.addf %broadcast_in_dim3A_35, %mul3A_28 : vector<1x4096xf32>
    %swap3A_37 = arith.constant 0 : index
    %swap3A_38 = arith.constant 0 : index
    %swap3A_39 = vector.load %arg8[%swap3A_37, %swap3A_38] : memref<1x4096xf32, #tpu.memory_space<vmem>>, vector<1x4096xf32>
    tpu.vector_store %arg8[%swap3A_37, %swap3A_38], %add3A_36 {strides = array<i32>} : memref<1x4096xf32, #tpu.memory_space<vmem>>, vector<1x4096xf32>,
    %dot_general3A_40 = arith.constant dense<0.000000e+00> : vector<32x32xf32>
    %dot_general3A_41 = tpu.matmul %add3A_12, %add3A_12, %dot_general3A_40 {dimension_numbers = #tpu.dot_dimension_numbers<[1], [1], [0], [0], [0, 0, 1, 0], [], []>, precision = #tpu.contract_precision<fp32>, transpose_lhs_hint = false} : vector<32x4096xf32>, vector<32x4096xf32>, vector<32x32xf32> -> vector<32x32xf32>
    %reduce_sum3A_42 = arith.constant dense<0.000000e+00> : vector<32xf32>
    %reduce_sum3A_43 = vector.multi_reduction <add>, %add3A_12, %reduce_sum3A_42 [1] : vector<32x4096xf32> to vector<32xf32>
    %broadcast_in_dim3A_44 = vector.shape_cast %reduce_sum3A_43 : vector<32xf32> to vector<32x1xf32>
    %eq3A = arith.constant 0 : i32
    %eq3A_45 = arith.cmpi eq, %arg0, %eq3A : i32
    %convert_element_type3A = arith.extui %eq3A_45 : i1 to i32
    %cond3A = arith.constant 0 : i32
    %cond3A_46 = arith.cmpi ne, %convert_element_type3A, %cond3A : i32
    scf.if %cond3A_46 {
      %swap3A_51 = arith.constant 0 : index
      %swap3A_52 = arith.constant 0 : index
      %swap3A_53 = vector.load %arg9[%swap3A_51, %swap3A_52] : memref<32x32xf32, #tpu.memory_space<vmem>>, vector<32x32xf32>
      tpu.vector_store %arg9[%swap3A_51, %swap3A_52], %dot_general3A_41 {strides = array<i32>} : memref<32x32xf32, #tpu.memory_space<vmem>>, vector<32x32xf32>,
      %swap3A_54 = arith.constant 0 : index
      %swap3A_55 = arith.constant 0 : index
      %swap3A_56 = vector.load %arg10[%swap3A_54, %swap3A_55] : memref<32x1xf32, #tpu.memory_space<vmem>>, vector<32x1xf32>
      tpu.vector_store %arg10[%swap3A_54, %swap3A_55], %broadcast_in_dim3A_44 {strides = array<i32>} : memref<32x1xf32, #tpu.memory_space<vmem>>, vector<32x1xf32>,
    } else {
    }
    %ne3A = arith.constant 0 : i32
    %ne3A_47 = arith.cmpi ne, %arg0, %ne3A : i32
    %convert_element_type3A_48 = arith.extui %ne3A_47 : i1 to i32
    %cond3A_49 = arith.constant 0 : i32
    %cond3A_50 = arith.cmpi ne, %convert_element_type3A_48, %cond3A_49 : i32
    scf.if %cond3A_50 {
      %get3A_51 = arith.constant 0 : index
      %get3A_52 = arith.constant 0 : index
      %get3A_53 = vector.load %arg9[%get3A_51, %get3A_52] : memref<32x32xf32, #tpu.memory_space<vmem>>, vector<32x32xf32>
      %add3A_54 = arith.addf %get3A_53, %dot_general3A_41 : vector<32x32xf32>
      %swap3A_55 = arith.constant 0 : index
      %swap3A_56 = arith.constant 0 : index
      %swap3A_57 = vector.load %arg9[%swap3A_55, %swap3A_56] : memref<32x32xf32, #tpu.memory_space<vmem>>, vector<32x32xf32>
      tpu.vector_store %arg9[%swap3A_55, %swap3A_56], %add3A_54 {strides = array<i32>} : memref<32x32xf32, #tpu.memory_space<vmem>>, vector<32x32xf32>,
      %get3A_58 = arith.constant 0 : index
      %get3A_59 = arith.constant 0 : index
      %get3A_60 = vector.load %arg10[%get3A_58, %get3A_59] : memref<32x1xf32, #tpu.memory_space<vmem>>, vector<32x1xf32>
      %add3A_61 = arith.addf %get3A_60, %broadcast_in_dim3A_44 : vector<32x1xf32>
      %swap3A_62 = arith.constant 0 : index
      %swap3A_63 = arith.constant 0 : index
      %swap3A_64 = vector.load %arg10[%swap3A_62, %swap3A_63] : memref<32x1xf32, #tpu.memory_space<vmem>>, vector<32x1xf32>
      tpu.vector_store %arg10[%swap3A_62, %swap3A_63], %add3A_61 {strides = array<i32>} : memref<32x1xf32, #tpu.memory_space<vmem>>, vector<32x1xf32>,
    } else {
    }
    return
  }
  func.func @transform_0(%arg0: i32) -> (i32, i32) {
    %c0_i32 = arith.constant 0 : i32
    %c0_i32_0 = arith.constant 0 : i32
    return %c0_i32, %arg0 : i32, i32
  }
  func.func @transform_1(%arg0: i32) -> (i32, i32) {
    %c0_i32 = arith.constant 0 : i32
    %c0_i32_0 = arith.constant 0 : i32
    return %c0_i32, %arg0 : i32, i32
  }
  func.func @transform_2(%arg0: i32) -> (i32, i32) {
    %c0_i32 = arith.constant 0 : i32
    %c0_i32_0 = arith.constant 0 : i32
    return %c0_i32, %arg0 : i32, i32
  }
  func.func @transform_3(%arg0: i32) -> (i32, i32) {
    %c0_i32 = arith.constant 0 : i32
    %c0_i32_0 = arith.constant 0 : i32
    %c0_i32_1 = arith.constant 0 : i32
    return %c0_i32, %c0_i32_0 : i32, i32
  }
  func.func @transform_4(%arg0: i32) -> (i32, i32) {
    %c0_i32 = arith.constant 0 : i32
    %c0_i32_0 = arith.constant 0 : i32
    %c0_i32_1 = arith.constant 0 : i32
    return %c0_i32, %c0_i32_0 : i32, i32
  }
  func.func @transform_5(%arg0: i32) -> (i32, i32) {
    %c0_i32 = arith.constant 0 : i32
    %c0_i32_0 = arith.constant 0 : i32
    %c0_i32_1 = arith.constant 0 : i32
    return %c0_i32, %c0_i32_0 : i32, i32
  }
  func.func @transform_6(%arg0: i32) -> (i32, i32) {
    %c0_i32 = arith.constant 0 : i32
    %c0_i32_0 = arith.constant 0 : i32
    return %c0_i32, %arg0 : i32, i32
  }
  func.func @transform_7(%arg0: i32) -> (i32, i32) {
    %c0_i32 = arith.constant 0 : i32
    %c0_i32_0 = arith.constant 0 : i32
    return %c0_i32, %arg0 : i32, i32
  }
  func.func @transform_8(%arg0: i32) -> (i32, i32) {
    %c0_i32 = arith.constant 0 : i32
    %c0_i32_0 = arith.constant 0 : i32
    %c0_i32_1 = arith.constant 0 : i32
    return %c0_i32, %c0_i32_0 : i32, i32
  }
  func.func @transform_9(%arg0: i32) -> (i32, i32) {
    %c0_i32 = arith.constant 0 : i32
    %c0_i32_0 = arith.constant 0 : i32
    %c0_i32_1 = arith.constant 0 : i32
    return %c0_i32, %c0_i32_0 : i32, i32
  }
}

module attributes {stable_mosaic.version = 14 : i64} {
  func.func @_pass_b_body(%arg0: i32, %arg1: memref<32x4096xf32, #tpu.memory_space<vmem>>, %arg2: memref<1x4096xf32, #tpu.memory_space<vmem>>, %arg3: memref<32x32xf32, #tpu.memory_space<vmem>>, %arg4: memref<32x1xf32, #tpu.memory_space<vmem>>, %arg5: memref<32x32xf32, #tpu.memory_space<vmem>>, %arg6: memref<32x32xf32, #tpu.memory_space<vmem>>, %arg7: memref<32x1xf32, #tpu.memory_space<vmem>>, %arg8: memref<32x1xf32, #tpu.memory_space<vmem>>, %arg9: memref<32x1xf32, #tpu.memory_space<vmem>>, %arg10: memref<32x1xf32, #tpu.memory_space<vmem>>, %arg11: memref<32x1xf32, #tpu.memory_space<vmem>>, %arg12: memref<1x1xf32, #tpu.memory_space<vmem>>, %arg13: memref<1x4096xf32, #tpu.memory_space<vmem>>) attributes {dimension_semantics = [#tpu.dimension_semantics<arbitrary>], iteration_bounds = array<i64: 4>, scalar_prefetch = 0 : i64, scratch_operands = 0 : i64, tpu.core_type = #tpu.core_type<tc>, window_params = [{transform_indices = @transform_0, window_bounds = array<i64: 32, 4096>}, {transform_indices = @transform_1, window_bounds = array<i64: 1, 4096>}, {pipeline_mode = #tpu.pipeline_mode<synchronous>, transform_indices = @transform_2, window_bounds = array<i64: 32, 32>}, {pipeline_mode = #tpu.pipeline_mode<synchronous>, transform_indices = @transform_3, window_bounds = array<i64: 32, 1>}, {pipeline_mode = #tpu.pipeline_mode<synchronous>, transform_indices = @transform_4, window_bounds = array<i64: 32, 32>}, {pipeline_mode = #tpu.pipeline_mode<synchronous>, transform_indices = @transform_5, window_bounds = array<i64: 32, 32>}, {pipeline_mode = #tpu.pipeline_mode<synchronous>, transform_indices = @transform_6, window_bounds = array<i64: 32, 1>}, {pipeline_mode = #tpu.pipeline_mode<synchronous>, transform_indices = @transform_7, window_bounds = array<i64: 32, 1>}, {pipeline_mode = #tpu.pipeline_mode<synchronous>, transform_indices = @transform_8, window_bounds = array<i64: 32, 1>}, {pipeline_mode = #tpu.pipeline_mode<synchronous>, transform_indices = @transform_9, window_bounds = array<i64: 32, 1>}, {pipeline_mode = #tpu.pipeline_mode<synchronous>, transform_indices = @transform_10, window_bounds = array<i64: 32, 1>}, {pipeline_mode = #tpu.pipeline_mode<synchronous>, transform_indices = @transform_11, window_bounds = array<i64: 1, 1>}, {transform_indices = @transform_12, window_bounds = array<i64: 1, 4096>}]} {
    %get3A = arith.constant 0 : index
    %get3A_0 = arith.constant 0 : index
    %get3A_1 = vector.load %arg6[%get3A, %get3A_0] : memref<32x32xf32, #tpu.memory_space<vmem>>, vector<32x32xf32>
    %get3A_2 = arith.constant 0 : index
    %get3A_3 = arith.constant 0 : index
    %get3A_4 = vector.load %arg5[%get3A_2, %get3A_3] : memref<32x32xf32, #tpu.memory_space<vmem>>, vector<32x32xf32>
    %get3A_5 = arith.constant 0 : index
    %get3A_6 = arith.constant 0 : index
    %get3A_7 = vector.load %arg4[%get3A_5, %get3A_6] : memref<32x1xf32, #tpu.memory_space<vmem>>, vector<32x1xf32>
    %mul3A = arith.constant 6.10351563E-5 : f32
    %mul3A_8 = vector.broadcast %mul3A : f32 to vector<32x1xf32>
    %mul3A_9 = arith.mulf %get3A_7, %mul3A_8 : vector<32x1xf32>
    %dot_general3A = arith.constant dense<0.000000e+00> : vector<32x32xf32>
    %dot_general3A_10 = tpu.matmul %mul3A_9, %mul3A_9, %dot_general3A {dimension_numbers = #tpu.dot_dimension_numbers<[1], [1], [0], [0], [0, 0, 1, 0], [], []>, precision = #tpu.contract_precision<fp32>, transpose_lhs_hint = false} : vector<32x1xf32>, vector<32x1xf32>, vector<32x32xf32> -> vector<32x32xf32>
    %get3A_11 = arith.constant 0 : index
    %get3A_12 = arith.constant 0 : index
    %get3A_13 = vector.load %arg3[%get3A_11, %get3A_12] : memref<32x32xf32, #tpu.memory_space<vmem>>, vector<32x32xf32>
    %mul3A_14 = arith.constant 6.10351563E-5 : f32
    %mul3A_15 = vector.broadcast %mul3A_14 : f32 to vector<32x32xf32>
    %mul3A_16 = arith.mulf %get3A_13, %mul3A_15 : vector<32x32xf32>
    %sub3A = arith.subf %mul3A_16, %dot_general3A_10 : vector<32x32xf32>
    %mul3A_17 = arith.mulf %sub3A, %get3A_1 : vector<32x32xf32>
    %reduce_sum3A = arith.constant dense<0.000000e+00> : vector<32xf32>
    %reduce_sum3A_18 = vector.multi_reduction <add>, %mul3A_17, %reduce_sum3A [1] : vector<32x32xf32> to vector<32xf32>
    %broadcast_in_dim3A = vector.shape_cast %reduce_sum3A_18 : vector<32xf32> to vector<32x1xf32>
    %get3A_19 = arith.constant 0 : index
    %get3A_20 = arith.constant 0 : index
    %get3A_21 = vector.load %arg7[%get3A_19, %get3A_20] : memref<32x1xf32, #tpu.memory_space<vmem>>, vector<32x1xf32>
    %add3A = arith.constant 9.99999974E-6 : f32
    %add3A_22 = vector.broadcast %add3A : f32 to vector<32x1xf32>
    %add3A_23 = arith.addf %broadcast_in_dim3A, %add3A_22 : vector<32x1xf32>
    %rsqrt3A = math.rsqrt %add3A_23 : vector<32x1xf32>
    %mul3A_24 = arith.mulf %get3A_21, %rsqrt3A : vector<32x1xf32>
    %mul3A_25 = vector.broadcast %mul3A_24 : vector<32x1xf32> to vector<32x32xf32>
    %mul3A_26 = arith.mulf %get3A_1, %mul3A_25 : vector<32x32xf32>
    %reduce_sum3A_27 = arith.constant dense<0.000000e+00> : vector<32xf32>
    %reduce_sum3A_28 = vector.multi_reduction <add>, %mul3A_26, %reduce_sum3A_27 [0] : vector<32x32xf32> to vector<32xf32>
    %broadcast_in_dim3A_29 = vector.shape_cast %reduce_sum3A_28 : vector<32xf32> to vector<1x32xf32>
    %mul3A_30 = vector.broadcast %mul3A_24 : vector<32x1xf32> to vector<32x32xf32>
    %mul3A_31 = arith.mulf %mul3A_30, %sub3A : vector<32x32xf32>
    %mul3A_32 = vector.broadcast %broadcast_in_dim3A_29 : vector<1x32xf32> to vector<32x32xf32>
    %mul3A_33 = arith.mulf %mul3A_31, %mul3A_32 : vector<32x32xf32>
    %dot_general3A_34 = arith.constant dense<0.000000e+00> : vector<32x32xf32>
    %dot_general3A_35 = tpu.matmul %get3A_4, %mul3A_33, %dot_general3A_34 {dimension_numbers = #tpu.dot_dimension_numbers<[1], [0], [0], [1], [0, 0, 1, 1], [], []>, precision = #tpu.contract_precision<fp32>, transpose_lhs_hint = false} : vector<32x32xf32>, vector<32x32xf32>, vector<32x32xf32> -> vector<32x32xf32>
    %mul3A_36 = arith.mulf %dot_general3A_35, %get3A_4 : vector<32x32xf32>
    %reduce_sum3A_37 = arith.constant dense<0.000000e+00> : vector<32xf32>
    %reduce_sum3A_38 = vector.multi_reduction <add>, %mul3A_36, %reduce_sum3A_37 [1] : vector<32x32xf32> to vector<32xf32>
    %broadcast_in_dim3A_39 = vector.shape_cast %reduce_sum3A_38 : vector<32xf32> to vector<32x1xf32>
    %get3A_40 = arith.constant 0 : index
    %get3A_41 = arith.constant 0 : index
    %get3A_42 = vector.load %arg9[%get3A_40, %get3A_41] : memref<32x1xf32, #tpu.memory_space<vmem>>, vector<32x1xf32>
    %add3A_43 = arith.constant 9.99999974E-6 : f32
    %add3A_44 = vector.broadcast %add3A_43 : f32 to vector<32x1xf32>
    %add3A_45 = arith.addf %broadcast_in_dim3A_39, %add3A_44 : vector<32x1xf32>
    %rsqrt3A_46 = math.rsqrt %add3A_45 : vector<32x1xf32>
    %mul3A_47 = arith.mulf %get3A_42, %rsqrt3A_46 : vector<32x1xf32>
    %dot_general3A_48 = arith.constant dense<0.000000e+00> : vector<32x1xf32>
    %dot_general3A_49 = tpu.matmul %get3A_4, %mul3A_47, %dot_general3A_48 {dimension_numbers = #tpu.dot_dimension_numbers<[0], [0], [1], [1], [0, 1, 1, 1], [], []>, precision = #tpu.contract_precision<fp32>, transpose_lhs_hint = false} : vector<32x32xf32>, vector<32x1xf32>, vector<32x1xf32> -> vector<32x1xf32>
    %get3A_50 = arith.constant 0 : index
    %get3A_51 = arith.constant 0 : index
    %get3A_52 = vector.load %arg8[%get3A_50, %get3A_51] : memref<32x1xf32, #tpu.memory_space<vmem>>, vector<32x1xf32>
    %dot_general3A_53 = arith.constant dense<0.000000e+00> : vector<32x1xf32>
    %dot_general3A_54 = tpu.matmul %get3A_4, %get3A_52, %dot_general3A_53 {dimension_numbers = #tpu.dot_dimension_numbers<[1], [0], [0], [1], [0, 0, 1, 1], [], []>, precision = #tpu.contract_precision<fp32>, transpose_lhs_hint = false} : vector<32x32xf32>, vector<32x1xf32>, vector<32x1xf32> -> vector<32x1xf32>
    %get3A_55 = arith.constant 0 : index
    %get3A_56 = arith.constant 0 : index
    %get3A_57 = vector.load %arg11[%get3A_55, %get3A_56] : memref<32x1xf32, #tpu.memory_space<vmem>>, vector<32x1xf32>
    %add3A_58 = arith.addf %dot_general3A_54, %get3A_57 : vector<32x1xf32>
    %get3A_59 = arith.constant 0 : index
    %get3A_60 = arith.constant 0 : index
    %get3A_61 = vector.load %arg8[%get3A_59, %get3A_60] : memref<32x1xf32, #tpu.memory_space<vmem>>, vector<32x1xf32>
    %mul3A_62 = arith.mulf %mul3A_24, %mul3A_9 : vector<32x1xf32>
    %sub3A_63 = arith.subf %get3A_61, %mul3A_62 : vector<32x1xf32>
    %mul3A_64 = arith.mulf %dot_general3A_49, %sub3A_63 : vector<32x1xf32>
    %reduce_sum3A_65 = vector.shape_cast %mul3A_64 : vector<32x1xf32> to vector<1x32x1xf32>
    %reduce_sum3A_66 = arith.constant dense<0.000000e+00> : vector<1xf32>
    %reduce_sum3A_67 = vector.multi_reduction <add>, %reduce_sum3A_65, %reduce_sum3A_66 [1, 2] : vector<1x32x1xf32> to vector<1xf32>
    %reduce_sum3A_68 = vector.shape_cast %reduce_sum3A_67 : vector<1xf32> to vector<1x1x1xf32>
    %reduce_sum3A_69 = vector.extract %reduce_sum3A_68[0, 0, 0] : f32 from vector<1x1x1xf32>
    %get3A_70 = arith.constant 0 : index
    %get3A_71 = arith.constant 0 : index
    %get3A_72 = vector.load %arg11[%get3A_70, %get3A_71] : memref<32x1xf32, #tpu.memory_space<vmem>>, vector<32x1xf32>
    %mul3A_73 = arith.mulf %mul3A_47, %get3A_72 : vector<32x1xf32>
    %reduce_sum3A_74 = vector.shape_cast %mul3A_73 : vector<32x1xf32> to vector<1x32x1xf32>
    %reduce_sum3A_75 = arith.constant dense<0.000000e+00> : vector<1xf32>
    %reduce_sum3A_76 = vector.multi_reduction <add>, %reduce_sum3A_74, %reduce_sum3A_75 [1, 2] : vector<1x32x1xf32> to vector<1xf32>
    %reduce_sum3A_77 = vector.shape_cast %reduce_sum3A_76 : vector<1xf32> to vector<1x1x1xf32>
    %reduce_sum3A_78 = vector.extract %reduce_sum3A_77[0, 0, 0] : f32 from vector<1x1x1xf32>
    %add3A_79 = arith.addf %reduce_sum3A_69, %reduce_sum3A_78 : f32
    %get3A_80 = arith.constant 0 : index
    %get3A_81 = arith.constant 0 : index
    %get3A_82 = vector.load %arg10[%get3A_80, %get3A_81] : memref<32x1xf32, #tpu.memory_space<vmem>>, vector<32x1xf32>
    %mul3A_83 = arith.mulf %mul3A_47, %add3A_58 : vector<32x1xf32>
    %sub3A_84 = arith.subf %get3A_82, %mul3A_83 : vector<32x1xf32>
    %reduce_sum3A_85 = vector.shape_cast %sub3A_84 : vector<32x1xf32> to vector<1x32x1xf32>
    %reduce_sum3A_86 = arith.constant dense<0.000000e+00> : vector<1xf32>
    %reduce_sum3A_87 = vector.multi_reduction <add>, %reduce_sum3A_85, %reduce_sum3A_86 [1, 2] : vector<1x32x1xf32> to vector<1xf32>
    %reduce_sum3A_88 = vector.shape_cast %reduce_sum3A_87 : vector<1xf32> to vector<1x1x1xf32>
    %reduce_sum3A_89 = vector.extract %reduce_sum3A_88[0, 0, 0] : f32 from vector<1x1x1xf32>
    %add3A_90 = arith.addf %add3A_79, %reduce_sum3A_89 : f32
    %get3A_91 = arith.constant 0 : index
    %get3A_92 = arith.constant 0 : index
    %get3A_93 = vector.load %arg12[%get3A_91, %get3A_92] : memref<1x1xf32, #tpu.memory_space<vmem>>, vector<1x1xf32>
    %get3A_94 = vector.extract %get3A_93[0, 0] : f32 from vector<1x1xf32>
    %add3A_95 = arith.addf %add3A_90, %get3A_94 : f32
    %get3A_96 = arith.constant 0 : index
    %get3A_97 = arith.constant 0 : index
    %get3A_98 = vector.load %arg2[%get3A_96, %get3A_97] : memref<1x4096xf32, #tpu.memory_space<vmem>>, vector<1x4096xf32>
    %add3A_99 = vector.broadcast %add3A_95 : f32 to vector<1x4096xf32>
    %add3A_100 = arith.addf %get3A_98, %add3A_99 : vector<1x4096xf32>
    %mul3A_101 = arith.mulf %dot_general3A_49, %mul3A_24 : vector<32x1xf32>
    %get3A_102 = arith.constant 0 : index
    %get3A_103 = arith.constant 0 : index
    %get3A_104 = vector.load %arg1[%get3A_102, %get3A_103] : memref<32x4096xf32, #tpu.memory_space<vmem>>, vector<32x4096xf32>
    %dot_general3A_105 = arith.constant dense<0.000000e+00> : vector<1x4096xf32>
    %dot_general3A_106 = tpu.matmul %mul3A_101, %get3A_104, %dot_general3A_105 {dimension_numbers = #tpu.dot_dimension_numbers<[0], [0], [1], [1], [0, 1, 1, 1], [], []>, precision = #tpu.contract_precision<fp32>, transpose_lhs_hint = false} : vector<32x1xf32>, vector<32x4096xf32>, vector<1x4096xf32> -> vector<1x4096xf32>
    %add3A_107 = arith.addf %add3A_100, %dot_general3A_106 : vector<1x4096xf32>
    %swap3A = arith.constant 0 : index
    %swap3A_108 = arith.constant 0 : index
    %swap3A_109 = vector.load %arg13[%swap3A, %swap3A_108] : memref<1x4096xf32, #tpu.memory_space<vmem>>, vector<1x4096xf32>
    tpu.vector_store %arg13[%swap3A, %swap3A_108], %add3A_107 {strides = array<i32>} : memref<1x4096xf32, #tpu.memory_space<vmem>>, vector<1x4096xf32>,
    return
  }
  func.func @transform_0(%arg0: i32) -> (i32, i32) {
    %c0_i32 = arith.constant 0 : i32
    %c0_i32_0 = arith.constant 0 : i32
    return %c0_i32, %arg0 : i32, i32
  }
  func.func @transform_1(%arg0: i32) -> (i32, i32) {
    %c0_i32 = arith.constant 0 : i32
    %c0_i32_0 = arith.constant 0 : i32
    return %c0_i32, %arg0 : i32, i32
  }
  func.func @transform_2(%arg0: i32) -> (i32, i32) {
    %c0_i32 = arith.constant 0 : i32
    %c0_i32_0 = arith.constant 0 : i32
    %c0_i32_1 = arith.constant 0 : i32
    return %c0_i32, %c0_i32_0 : i32, i32
  }
  func.func @transform_3(%arg0: i32) -> (i32, i32) {
    %c0_i32 = arith.constant 0 : i32
    %c0_i32_0 = arith.constant 0 : i32
    %c0_i32_1 = arith.constant 0 : i32
    return %c0_i32, %c0_i32_0 : i32, i32
  }
  func.func @transform_4(%arg0: i32) -> (i32, i32) {
    %c0_i32 = arith.constant 0 : i32
    %c0_i32_0 = arith.constant 0 : i32
    %c0_i32_1 = arith.constant 0 : i32
    return %c0_i32, %c0_i32_0 : i32, i32
  }
  func.func @transform_5(%arg0: i32) -> (i32, i32) {
    %c0_i32 = arith.constant 0 : i32
    %c0_i32_0 = arith.constant 0 : i32
    %c0_i32_1 = arith.constant 0 : i32
    return %c0_i32, %c0_i32_0 : i32, i32
  }
  func.func @transform_6(%arg0: i32) -> (i32, i32) {
    %c0_i32 = arith.constant 0 : i32
    %c0_i32_0 = arith.constant 0 : i32
    %c0_i32_1 = arith.constant 0 : i32
    return %c0_i32, %c0_i32_0 : i32, i32
  }
  func.func @transform_7(%arg0: i32) -> (i32, i32) {
    %c0_i32 = arith.constant 0 : i32
    %c0_i32_0 = arith.constant 0 : i32
    %c0_i32_1 = arith.constant 0 : i32
    return %c0_i32, %c0_i32_0 : i32, i32
  }
  func.func @transform_8(%arg0: i32) -> (i32, i32) {
    %c0_i32 = arith.constant 0 : i32
    %c0_i32_0 = arith.constant 0 : i32
    %c0_i32_1 = arith.constant 0 : i32
    return %c0_i32, %c0_i32_0 : i32, i32
  }
  func.func @transform_9(%arg0: i32) -> (i32, i32) {
    %c0_i32 = arith.constant 0 : i32
    %c0_i32_0 = arith.constant 0 : i32
    %c0_i32_1 = arith.constant 0 : i32
    return %c0_i32, %c0_i32_0 : i32, i32
  }
  func.func @transform_10(%arg0: i32) -> (i32, i32) {
    %c0_i32 = arith.constant 0 : i32
    %c0_i32_0 = arith.constant 0 : i32
    %c0_i32_1 = arith.constant 0 : i32
    return %c0_i32, %c0_i32_0 : i32, i32
  }
  func.func @transform_11(%arg0: i32) -> (i32, i32) {
    %c0_i32 = arith.constant 0 : i32
    %c0_i32_0 = arith.constant 0 : i32
    %c0_i32_1 = arith.constant 0 : i32
    return %c0_i32, %c0_i32_0 : i32, i32
  }
  func.func @transform_12(%arg0: i32) -> (i32, i32) {
    %c0_i32 = arith.constant 0 : i32
    %c0_i32_0 = arith.constant 0 : i32
    return %c0_i32, %arg0 : i32, i32
  }
}

</mosaic_0001>

<sc_bundles>
// kernel: kernel.5.cloned.1.call-start
scs
__scs_entry_jumppad:
0x0: {  	(pc) =	sbr.rel $0x88, $3  }
0x1: {  	(tag) =	ssettag $0x0;
	lr =	simm.s32 $0x1  }
0x2: {  	[smem:$0x3F94] =	sst lr;
	_ =	strace $0xD0000000  }
0x3: {  	_ = 	snop  }
0x4: {  	_ = 	snop  }
0x5: {  	_ = 	snop  }
0x6: {  	_ = 	snop  }
0x7: {  	_ = 	snop  }
__scs_overlays_trampoline_lowered:
0x8: {  	[smem:$0x3FA3] =	sst s0  }
0x9: {  	[smem:$0x3FA4] =	sst s1  }
0xa: {  	[smem:$0x3FA5] =	sst s2  }
0xb: {  	[smem:$0x3FA6] =	sst s3  }
0xc: {  	[smem:$0x3FA7] =	sst s4  }
0xd: {  	[smem:$0x3FA8] =	sst s5  }
0xe: {  	[smem:$0x3FA9] =	sst s6  }
0xf: {  	[smem:$0x3FAA] =	sst s7  }
0x10: {  	[smem:$0x3FAB] =	sst s8  }
0x11: {  	[smem:$0x3FAC] =	sst s9;
	s0 =	simm.s32 @!p0 $0x0  }
0x12: {  	s1 =	sld [smem:$0x3F92];
	s0 =	simm.s32 @p0 $0x1  }
0x13: {  	[smem:$0x3FAD] =	sst s0;
	s0 =	simm.s32 @!p1 $0x0  }
0x14: {  	s2 =	sld [smem:$0x3F91];
	s0 =	simm.s32 @p1 $0x1  }
0x15: {  	[smem:$0x3FAE] =	sst s0;
	s0 =	simm.s32 @!p2 $0x0  }
0x16: {  	s3 =	sld [smem:$0x3FDB];
	s0 =	simm.s32 @p2 $0x1  }
0x17: {  	s4 =	simm.s32 $0x1BF5;
	[smem:$0x3FB0] =	sst s0  }
0x18: {  	s0 =	sld [smem:$0x3F93];
	_ =	swait.ge [sflag:s4], $0x0  }
0x19: {  	s7 =	sld [smem:$0x3F94]  }
0x1a: {  	s8 =	sadd.s32 $0xFFFFE003, lr  }
0x1b: {  	s9 =	sadd.s32 $0xFFFFFEF7, lr;
	s5 =	simm.s32 $0xFFFFFFFF;
	p2 =	slt.u32 s8, $0xFFFFF086  }
0x1c: {  	p1 =	slt.u32 s9, $0xF7A;
	s5 =	simm.s32 @!p2 $0x0  }
0x1d: {  	s5 =	simm.s32 @p1 $0x1;
	p0 =	seq.s32 s7, s2  }
0x1e: {  	s7 =	smul.u32 @!p0 $0xF7A, s2;
	p2 =	seq.s32 @!p0 s5, $0x0  }
0x1f: {  	s9 =	smul.u32 $0xF7A, s1;
	s8 =	simm.s32 @!p0 $0x1BF5;
	p2 =	por !p2, p0  }
0x20: {  	[sflag:s8] =	ssyncset.s32 @!p0 $0xFFFFF086;
	s6 =	sadd.s32 @!p0 s3, s7;
	s7 =	simm.s32 @!p0 $0x108  }
0x21: {  	s3 =	sadd.s32 s3, s9;
	s6 =	sadd.s32 @!p0 $0x88, s6;
	s7 =	simm.s32 @p2 $0x1082  }
0x22: {  	[simem:s7], [sflag:s8] =	dma.local @!p0 [hbm:s6], $0xF7A  }
0x23: {  	s9 =	sor.u32 $0xD0000000, s2;
	s6 =	simm.s32 $0x108;
	_ =	swait.ge @!p0 [sflag:s8], $0x0  }
0x24: {  	s3 =	sadd.s32 $0x88, s3;
	s6 =	simm.s32 @!p1 $0x1082;
	[sflag:s4] =	ssyncset.s32 $0xFFFFF086  }
0x25: {  	[simem:s6], [sflag:s4] =	dma.local [hbm:s3], $0xF7A  }
0x26: {  	[smem:$0x3F94] =	sst s1;
	(tag) =	ssettag s2;
	_ =	strace s9  }
0x27: {  	s1 =	sld [smem:$0x3FA4]  }
0x28: {  	s2 =	sld [smem:$0x3FA5]  }
0x29: {  	s4 =	sld [smem:$0x3FA7]  }
0x2a: {  	p0 =	seq.s32 s5, $0x0;
	s5 =	sld [smem:$0x3FA8]  }
0x2b: {  	s6 =	sld [smem:$0x3FA9]  }
0x2c: {  	s7 =	sld [smem:$0x3FAA]  }
0x2d: {  	s3 =	simm.s32 $0x108;
	s8 =	sld [smem:$0x3FAB]  }
0x2e: {  	s3 =	simm.s32 @!p0 $0x1082;
	s9 =	sld [smem:$0x3FAC]  }
0x2f: {  	lr =	sadd.s32 s0, s3;
	s0 =	sld [smem:$0x3FA3]  }
0x30: {  	s3 =	sld [smem:$0x3FA6]  }
0x31: {  	[smem:$0x3FAF] =	sst s10  }
0x32: {  	s10 =	sld [smem:$0x3FAD];
	_ =	sdelay $0x3  }
0x33: {  	p0 =	seq.s32 s10, $0x1;
	s10 =	sld [smem:$0x3FAF];
	_ =	sdelay $0x3  }
0x34: {  	[smem:$0x3FAF] =	sst s10  }
0x35: {  	s10 =	sld [smem:$0x3FAE];
	_ =	sdelay $0x3  }
0x36: {  	p1 =	seq.s32 s10, $0x1;
	s10 =	sld [smem:$0x3FAF];
	_ =	sdelay $0x3  }
0x37: {  	[smem:$0x3FAF] =	sst s10  }
0x38: {  	s10 =	sld [smem:$0x3FB0]  }
0x39: {  	_ = 	snop;
	(pc) =	sbr.ind lr, $3  }
0x3a: {  	_ = 	snop  }
0x3b: {  	_ = 	snop  }
0x3c: {  	p2 =	seq.s32 s10, $0x1;
	s10 =	sld [smem:$0x3FAF]  }
0x3d: {  	_ =	shalt  }
0x3e: {  	_ =	shalt  }
0x3f: {  	_ =	shalt  }
0x40: {  	_ =	shalt  }
0x41: {  	_ =	shalt  }
0x42: {  	_ =	shalt  }
0x43: {  	_ =	shalt  }
0x44: {  	_ =	shalt  }
0x45: {  	_ =	shalt  }
0x46: {  	_ =	shalt  }
0x47: {  	_ =	shalt  }
0x48: {  	_ =	shalt  }
0x49: {  	_ =	shalt  }
0x4a: {  	_ =	shalt  }
0x4b: {  	_ =	shalt  }
0x4c: {  	_ =	shalt  }
0x4d: {  	_ =	shalt  }
0x4e: {  	_ =	shalt  }
0x4f: {  	_ =	shalt  }
0x50: {  	_ =	shalt  }
0x51: {  	_ =	shalt  }
0x52: {  	_ =	shalt  }
0x53: {  	_ =	shalt  }
0x54: {  	_ =	shalt  }
0x55: {  	_ =	shalt  }
0x56: {  	_ =	shalt  }
0x57: {  	_ =	shalt  }
0x58: {  	_ =	shalt  }
0x59: {  	_ =	shalt  }
0x5a: {  	_ =	shalt  }
0x5b: {  	_ =	shalt  }
0x5c: {  	_ =	shalt  }
0x5d: {  	_ =	shalt  }
0x5e: {  	_ =	shalt  }
0x5f: {  	_ =	shalt  }
0x60: {  	_ =	shalt  }
0x61: {  	_ =	shalt  }
0x62: {  	_ =	shalt  }
0x63: {  	_ =	shalt  }
0x64: {  	_ =	shalt  }
0x65: {  	_ =	shalt  }
0x66: {  	_ =	shalt  }
0x67: {  	_ =	shalt  }
0x68: {  	_ =	shalt  }
0x69: {  	_ =	shalt  }
0x6a: {  	_ =	shalt  }
0x6b: {  	_ =	shalt  }
0x6c: {  	_ =	shalt  }
0x6d: {  	_ =	shalt  }
0x6e: {  	_ =	shalt  }
0x6f: {  	_ =	shalt  }
0x70: {  	_ =	shalt  }
0x71: {  	_ =	shalt  }
0x72: {  	_ =	shalt  }
0x73: {  	_ =	shalt  }
0x74: {  	_ =	shalt  }
0x75: {  	_ =	shalt  }
0x76: {  	_ =	shalt  }
0x77: {  	_ =	shalt  }
0x78: {  	_ =	shalt  }
0x79: {  	_ =	shalt  }
0x7a: {  	_ =	shalt  }
0x7b: {  	_ =	shalt  }
0x7c: {  	_ =	shalt  }
0x7d: {  	_ =	shalt  }
0x7e: {  	_ =	shalt  }
0x7f: {  	_ =	shalt  }
0x80: {  	_ =	shalt  }
0x81: {  	_ =	shalt  }
0x82: {  	_ =	shalt  }
0x83: {  	_ =	shalt  }
0x84: {  	_ =	shalt  }
0x85: {  	_ =	shalt  }
0x86: {  	_ =	shalt  }
0x87: {  	_ =	shalt  }
.Lfunc_end0:
.L_simem_size_0:
called_computation_lowered:
.L_overlay_start_0:
0x88: {  	s2 =	sld [smem:$0x3FD9]  }
0x89: {  	s3 =	sld [smem:$0x3FFE];
	_ =	sdelay $0x1  }
0x8a: {  	s1 =	srdreg.scid  }
0x8b: {  	s0 =	sand.u32 $0x1, s1  }
0x8c: {  	s17 =	sshll.u32 s0, $0xA;
	s2 =	sadd.s32 s3, s2  }
0x8d: {  	s2 =	sadd.s32 s2, s17  }
0x8e: {  	[smem:$0x3FBB] =	sst s2  }
0x8f: {  	_ = 	snop  }
0x90: {  	s2 =	sld [smem:$0x3FC6];
	(tm) =	ssettm $0x1  }
0x91: {  	s18 =	sld [smem:$0x3FFB];
	_ =	sdelay $0x3  }
0x92: {  	_ =	strace s18  }
0x93: {  	s3 =	sld [smem:$0x3FFC];
	_ =	sdelay $0x3  }
0x94: {  	_ =	strace s3  }
0x95: {  	s3 =	sld [smem:$0x3FFD];
	_ =	sdelay $0x3  }
0x96: {  	_ =	strace s3  }
0x97: {  	_ =	strace $0x8FFFFFFF  }
0x98: {  	s19 =	sld [smem:$0x3FDB];
	_ =	sdelay $0x1  }
0x99: {  	s4 =	simm.s32 $_scs_section_size  }
0x9a: {  	s5 =	simm.s32 $_size__tile_overlayer_lowered;
	s6 =	simm.s32 $_tile_overlayer_lowered  }
0x9b: {  	s22 =	simm.s32 $0x1BFF;
	s21 =	sshll.u32 s6, $0x1;
	s3 =	sadd.s32 s4, s19  }
0x9c: {  	s7 =	simm.s32 $0x0;
	s20 =	sshll.u32 s5, $0x1;
	s5 =	sadd.s32 s21, s3  }
0x9d: {  	[timem:s7], [sflag:s22] =	dma.local [hbm:s5], s20  }
0x9e: {  	_ =	swait.ge [sflag:s22], s20  }
0x9f: {  	s4 =	ssub.s32 $0x0, s20;
	[sflag:s22] =	ssyncset.done $0x0  }
0xa0: {  	[sflag:s22] =	ssyncadd.s32 s4;
	_ =	sdelay $0x1  }
0xa1: {  	s23 =	simm.s32 $0x1B8B  }
0xa2: {  	_ =	swait.ge [sflag:s23], $0x1  }
0xa3: {  	[sflag:s23] =	ssyncset.done $0x0  }
0xa4: {  	s25 =	simm.s32 $0x1B8E;
	s24 =	sld [smem:$0x3FFE];
	[sflag:s23] =	ssyncadd.s32 $0xFFFFFFFF  }
0xa5: {  	s26 =	simm.s32 $execute0_lowered;
	[smem:$0x3FD2] =	sst s25  }
0xa6: {  	s5 =	sshll.u32 s26, $0x1;
	_ =	strace $0x80000046;
	[dreg:$0x1] =	wrdreg $0xFFFFFFFF  }
0xa7: {  	s28 =	simm.s32 $_size_execute0_lowered;
	s3 =	sadd.s32 s3, s5;
	[dreg:$0x0] =	wrdreg $0x0  }
0xa8: {  	s5 =	sshll.u32 s28, $0x1;
	[dreg:$0x2] =	wrdreg s3  }
0xa9: {  	[dreg:$0x3] =	wrdreg s5  }
0xaa: {  	[dreg:$0x4] =	wrdreg $0xC0  }
0xab: {  	_ =	task [dreg:s7], $0x5FFFF  }
0xac: {  	[dreg:$0x1] =	wrdreg $0xFFFFFFFF  }
0xad: {  	[dreg:$0x0] =	wrdreg $0x60  }
0xae: {  	[dreg:$0x2] =	wrdreg s2  }
0xaf: {  	[dreg:$0x3] =	wrdreg s24  }
0xb0: {  	[dreg:$0x4] =	wrdreg $0x9  }
0xb1: {  	_ =	task.clear_ibuf [dreg:s7], $0x5FFFF;
	_ =	strace $0x90000046  }
0xb2: {  	s29 =	simm.s32 $0x9;
	_ =	strace $0x80000048  }
0xb3: {  	_ =	swait.ge [sflag:s29], $0x1  }
0xb4: {  	[sflag:s29] =	ssyncadd.s32 $0xFFFFFFFF  }
0xb5: {  	_ =	strace $0x90000048  }
0xb6: {  	_ =	sfence  }
0xb7: {  	s30 =	sld [smem:$0x0];
	_ =	sdelay $0x2  }
0xb8: {  	s31 =	sshll.u32 s1, $0xD;
	s1 =	sshrl.u32 s1, $0x2  }
0xb9: {  	s3 =	sand.u32 $0x4000, s31;
	s1 =	sadd.s32 s1, s30  }
0xba: {  	s0 =	sor.u32 s3, s0;
	s1 =	sshll.u32 s1, $0x11  }
0xbb: {  	s0 =	sor.u32 s1, s0  }
0xbc: {  	s0 =	sadd.s32 $0x8F2B, s0  }
0xbd: {  	[sflag:s0] =	ssyncadd.remote.s32 $0x1  }
0xbe: {  	_ =	sfence.sel $0xFFFF  }
0xbf: {  	[dreg:$0x0] =	wrdreg $0xFFFFFFFF;
	(pc) =	sbr.abs _section_cstart, $3  }
0xc0: {  	[dreg:$0x1] =	wrdreg $0xFFFFFFFF  }
0xc1: {  	_ =	task.clear_ibuf [dreg:s7], $0x2FFFF;
	_ =	strace $0x9FFFFFFF  }
0xc2: {  	(tm) =	ssettm $0x7FFFFFFF  }
0xc3: {  	_ =	shalt  }
tec
execute0_lowered:
.L_overlay_start_1:
0x0: {  	(tag) =	ssettag $0x1  }
0x1: {  	s0 =	srdreg.scid  }
0x2: {  	s26 =	stileid.u32;
	s3 =	rddreg [dreg:$0x0]  }
0x3: {  	s11 =	rddreg [dreg:$0x1];
	s19 =	simm.s32 $0x80;
	s20 =	simm.s32 $0x400  }
0x4: {  	s21 =	simm.s32 $0x18700;
	s22 =	simm.s32 $0x2;
	s23 =	simm.s32 $0x1  }
0x5: {  	s24 =	simm.s32 $0x1C700;
	s25 =	simm.s32 $0x1D700;
	s28 =	simm.s32 $0x0  }
0x6: {  	s0 =	sand.u32 $0x1, s0;
	s1 =	sshll.u32 s26, $0x1;
	s2 =	sshrl.u32 s26, $0x2  }
0x7: {  	s9 =	sadd.s32 $0x84C00, s11;
	s10 =	sadd.s32 $0x85C00, s11;
	p0 =	sgt.u32 s26, $0xC  }
0x8: {  	p1 =	slt.u32 s26, $0xD;
	s26 =	simm.s32 $0x3;
	s1 =	sor.u32 s0, s1  }
0x9: {  	s5 =	smul.u32 $0xC3800, s2;
	s2 =	sshll.u32 s2, $0x11;
	s0 =	ssub.s32 $0x2, s0  }
0xa: {  	s4 =	sshll.u32 s1, $0x7;
	s7 =	sshrl.u32 s0, $0x1;
	s8 =	sshll.u32 s1, $0x4  }
0xb: {  	s17 =	smul.u32 $0xD, s1;
	s6 =	sand.u32 $0x380, s4;
	s4 =	simm.s32 $0x0  }
0xc: {  	s0 =	ssub.s32 s0, s7;
	s5 =	sor.u32 s5, s6;
	[smem:$0x7FF] =	sst s4  }
0xd: {  	s2 =	sor.u32 s2, s6;
	s6 =	sadd.s32 $0x83C00, s11;
	s18 =	smax.u32 s0, $0x1  }
.Ltmp0:
0xe: {  	s5 =	sshrl.u32 s5, $0x3;
	_ =	strace $0x80000047;
	(pc) =	sbr.rel .LBB2_1-.Ltmp0, $4  }
0xf: {  	s2 =	sshrl.u32 s2, $0x3;
	s12 =	sadd.s32 s5, s11;
	s5 =	sadd.s32 $0x63C00, s11  }
0x10: {  	s16 =	sadd.s32 s2, s11;
	s11 =	sadd.s32 $0x86C00, s11;
	s2 =	sadd.s32 s5, s2  }
0x11: {  	s12 =	sadd.s32 $0x2000, s12;
	s13 =	sadd.s32 $0x73C00, s16;
	s14 =	sadd.s32 $0x74C00, s16  }
0x12: {  	s15 =	sadd.s32 $0x75C00, s16;
	s16 =	sadd.s32 $0x76C00, s16;
	[dreg:$0x3] =	wrdreg s2  }
.LBB2_31:
0x13: {  	s28 =	sadd.s32 $0x1, s28  }
0x14: {  	_ =	swait.ge [sflag:s26], $0x1000;
	p2 =	sne.s32 s28, s18  }
.Ltmp1:
0x15: {  	[sflag:s26] =	ssyncset.done $0x0;
	(pc) =	sbr.rel @!p2 .LBB2_32-.Ltmp1, $4  }
0x16: {  	[sflag:s26] =	ssyncadd.s32 $0xFFFFF000  }
0x17: {  	_ =	swait.ge [sflag:s26], $0x1000  }
0x18: {  	[sflag:s26] =	ssyncset.done $0x0  }
0x19: {  	[sflag:s26] =	ssyncadd.s32 $0xFFFFF000  }
.LBB2_1:
.Ltmp2:
0x1a: {  	(pc) =	sbr.rel @p0 .LBB2_21-.Ltmp2, $1  }
0x1b: {  	_ =	sdelay $0x3  }
0x1c: {  	s0 =	rddreg [dreg:$0x3]  }
0x1d: {  	[tilespmem:s21], [sflag:$0x2] =	stream.strided.gather [hbm4b:s0+s19], $0x4000, s20, s19, $0x38;
	[tilespmem:$0x1E700] =	vst v63  }
0x1e: {  	_ =	swait.ge [sflag:s22], $0x4000  }
0x1f: {  	[sflag:s22] =	ssyncset.done $0x0  }
0x20: {  	s29 =	simm.s32 $0x0;
	[sflag:s22] =	ssyncadd.s32 $0xFFFFC000  }
.LBB2_3:
0x21: {  	s0 =	smul.u32 $0x1A, s29;
	_ =	sdelay $0x1  }
0x22: {  	s30 =	sadd.s32 s1, s0  }
0x23: {  	s0 =	smulhi.u32 $0x4EC4EC4F, s30;
	_ =	sdelay $0x1  }
0x24: {  	s2 =	sshrl.u32 s0, $0x3  }
0x25: {  	s2 =	sadd.s32 s8, s2  }
0x26: {  	s2 =	sshrl.u32 s2, $0x3  }
0x27: {  	s0 =	sshll.u32 s0, $0x4;
	s2 =	smul.u32 $0xC3800, s2  }
0x28: {  	s0 =	sand.u32 $0x380, s0  }
0x29: {  	s0 =	sor.u32 s0, s2  }
0x2a: {  	s0 =	sshrl.u32 s0, $0x3  }
0x2b: {  	p2 =	seq.s32 s29, $0x0;
	s0 =	sadd.s32 s3, s0  }
0x2c: {  	[tilespmem:s4], [sflag:$0x1] =	stream.strided.gather [hbm4b:s0+s19], $0x18700, s20, s19, $0x38;
	[tilespmem:$0x1E700] =	vst v63  }
0x2d: {  	s0 =	simm.s32 @!p2 $0x3  }
0x2e: {  	_ =	swait.ge @!p2 [sflag:s0], $0x1000  }
0x2f: {  	[sflag:s0] =	ssyncset.done @!p2 $0x0  }
0x30: {  	[sflag:s0] =	ssyncadd.s32 @!p2 $0xFFFFF000  }
0x31: {  	_ =	swait.ge @!p2 [sflag:s0], $0x1000  }
0x32: {  	[sflag:s0] =	ssyncset.done @!p2 $0x0  }
0x33: {  	[sflag:s0] =	ssyncadd.s32 @!p2 $0xFFFFF000  }
0x34: {  	_ =	swait.ge [sflag:s23], $0x18700  }
0x35: {  	[sflag:s23] =	ssyncset.done $0x0  }
0x36: {  	s7 =	simm.s32 $0x18740;
	[sflag:s23] =	ssyncadd.s32 $0xFFFE7900  }
0x37: {  	v0 =	vld [tilespmem:s7+$0x30]  }
0x38: {  	v1 =	vld [tilespmem:s7+$0xFFFFFFD0]  }
0x39: {  	v2 =	vld [tilespmem:s7+$0xFFFFFFE0]  }
0x3a: {  	v3 =	vld [tilespmem:s7+$0xFFFFFFF0]  }
0x3b: {  	v6 =	vld [tilespmem:s7+$0x0]  }
0x3c: {  	v7 =	vld [tilespmem:s7+$0x10]  }
0x3d: {  	v8 =	vld [tilespmem:s7+$0x20]  }
0x3e: {  	v9 =	vld [tilespmem:s7+$0xFFFFFFC0]  }
0x3f: {  	v10 =	vld.idx.msk [tilespmem:v0+s4+$0x0], $0xffff  }
0x40: {  	v11 =	vld.idx.msk [tilespmem:v1+s4+$0x0], $0xffff  }
0x41: {  	v5 =	vld.idx.msk [tilespmem:v2+s4+$0x0], $0xffff  }
0x42: {  	v4 =	vld.idx.msk [tilespmem:v3+s4+$0x0], $0xffff  }
0x43: {  	v3 =	vld.idx.msk [tilespmem:v6+s4+$0x0], $0xffff  }
0x44: {  	s31 =	simm.s32 $0x1C740;
	v2 =	vld.idx.msk [tilespmem:v7+s4+$0x0], $0xffff  }
0x45: {  	v0 =	vld.idx.msk [tilespmem:v8+s4+$0x0], $0xffff;
	[tilespmem:s31+$0x30] =	vst v10  }
0x46: {  	s2 =	simm.s32 $0x0;
	s0 =	simm.s32 $0x187C0;
	v1 =	vld.idx.msk [tilespmem:v9+s4+$0x0], $0xffff;
	[tilespmem:s31+$0xFFFFFFD0] =	vst v11  }
.LBB2_4:
0x47: {  	v6 =	vld [tilespmem:s0+$0x30];
	s2 =	sadd.s32 $0x8, s2;
	[tilespmem:s31+$0xFFFFFFE0] =	vst v5  }
0x48: {  	v5 =	vld [tilespmem:s0+$0xFFFFFFD0];
	p2 =	slt.u32 s2, $0xF8;
	[tilespmem:s31+$0xFFFFFFF0] =	vst v4  }
0x49: {  	v4 =	vld [tilespmem:s0+$0xFFFFFFE0];
	[tilespmem:s31+$0x0] =	vst v3  }
0x4a: {  	v3 =	vld [tilespmem:s0+$0xFFFFFFF0];
	[tilespmem:s31+$0x10] =	vst v2  }
0x4b: {  	v2 =	vld [tilespmem:s0+$0x0];
	[tilespmem:s31+$0x20] =	vst v0  }
0x4c: {  	v0 =	vld [tilespmem:s0+$0x10];
	[tilespmem:s31+$0xFFFFFFC0] =	vst v1  }
0x4d: {  	v1 =	vld [tilespmem:s0+$0x20]  }
0x4e: {  	v7 =	vld [tilespmem:s0+$0xFFFFFFC0]  }
0x4f: {  	v6 =	vld.idx.msk [tilespmem:v6+s4+$0x0], $0xffff  }
0x50: {  	v8 =	vld.idx.msk [tilespmem:v5+s4+$0x0], $0xffff  }
0x51: {  	v5 =	vld.idx.msk [tilespmem:v4+s4+$0x0], $0xffff  }
.Ltmp3:
0x52: {  	v4 =	vld.idx.msk [tilespmem:v3+s4+$0x0], $0xffff;
	(pc) =	sbr.rel @p2 .LBB2_4-.Ltmp3, $4  }
0x53: {  	v3 =	vld.idx.msk [tilespmem:v2+s4+$0x0], $0xffff  }
0x54: {  	s31 =	sadd.s32 $0x80, s31;
	v2 =	vld.idx.msk [tilespmem:v0+s4+$0x0], $0xffff  }
0x55: {  	v0 =	vld.idx.msk [tilespmem:v1+s4+$0x0], $0xffff;
	[tilespmem:s31+$0x30] =	vst v6  }
0x56: {  	s0 =	sadd.s32 $0x80, s0;
	v1 =	vld.idx.msk [tilespmem:v7+s4+$0x0], $0xffff;
	[tilespmem:s31+$0xFFFFFFD0] =	vst v8  }
0x57: {  	[tilespmem:s31+$0xFFFFFFE0] =	vst v5  }
0x58: {  	[tilespmem:s31+$0xFFFFFFF0] =	vst v4  }
0x59: {  	s0 =	sshll.u32 s30, $0xB;
	s2 =	sshll.u32 s30, $0x4;
	[tilespmem:s31+$0x0] =	vst v3  }
0x5a: {  	s0 =	sand.u32 $0x1FC000, s0;
	s2 =	sand.u32 $0x70, s2;
	[tilespmem:s31+$0x10] =	vst v2  }
0x5b: {  	s30 =	sor.u32 s2, s0;
	[tilespmem:s31+$0x20] =	vst v0  }
0x5c: {  	s7 =	simm.s32 $0x19770;
	s0 =	sadd.s32 s6, s30;
	[tilespmem:s31+$0xFFFFFFC0] =	vst v1  }
0x5d: {  	[hbm4b:s0+s19] =	stream.strided.scatter [tilespmem:s24], [sflag:$0x3], $0x1000, s20, s19, $0x38;
	[tilespmem:$0x1E700] =	vst v63  }
0x5e: {  	v0 =	vld [tilespmem:s7+$0x0]  }
0x5f: {  	v1 =	vld [tilespmem:s7+$0xFFFFFFA0]  }
0x60: {  	v2 =	vld [tilespmem:s7+$0xFFFFFFB0]  }
0x61: {  	v3 =	vld [tilespmem:s7+$0xFFFFFFC0]  }
0x62: {  	v4 =	vld [tilespmem:s7+$0xFFFFFFD0]  }
0x63: {  	v6 =	vld [tilespmem:s7+$0xFFFFFFE0]  }
0x64: {  	v7 =	vld [tilespmem:s7+$0xFFFFFFF0]  }
0x65: {  	v8 =	vld [tilespmem:s7+$0xFFFFFF90]  }
0x66: {  	v9 =	vld.idx.msk [tilespmem:v0+s4+$0x0], $0xffff  }
0x67: {  	v10 =	vld.idx.msk [tilespmem:v1+s4+$0x0], $0xffff  }
0x68: {  	v5 =	vld.idx.msk [tilespmem:v2+s4+$0x0], $0xffff  }
0x69: {  	v3 =	vld.idx.msk [tilespmem:v3+s4+$0x0], $0xffff  }
0x6a: {  	v0 =	vld.idx.msk [tilespmem:v4+s4+$0x0], $0xffff  }
0x6b: {  	s31 =	simm.s32 $0x1D740;
	v1 =	vld.idx.msk [tilespmem:v6+s4+$0x0], $0xffff  }
0x6c: {  	v2 =	vld.idx.msk [tilespmem:v7+s4+$0x0], $0xffff;
	[tilespmem:s31+$0x30] =	vst v9  }
0x6d: {  	s2 =	simm.s32 $0x0;
	s0 =	simm.s32 $0x197F0;
	v4 =	vld.idx.msk [tilespmem:v8+s4+$0x0], $0xffff;
	[tilespmem:s31+$0xFFFFFFD0] =	vst v10  }
.LBB2_6:
0x6e: {  	v6 =	vld [tilespmem:s0+$0x0];
	s2 =	sadd.s32 $0x8, s2;
	[tilespmem:s31+$0xFFFFFFE0] =	vst v5  }
0x6f: {  	v5 =	vld [tilespmem:s0+$0xFFFFFFA0];
	p2 =	slt.u32 s2, $0xF8;
	[tilespmem:s31+$0xFFFFFFF0] =	vst v3  }
0x70: {  	v3 =	vld [tilespmem:s0+$0xFFFFFFB0];
	[tilespmem:s31+$0x0] =	vst v0  }
0x71: {  	v0 =	vld [tilespmem:s0+$0xFFFFFFC0];
	[tilespmem:s31+$0x10] =	vst v1  }
0x72: {  	v1 =	vld [tilespmem:s0+$0xFFFFFFD0];
	[tilespmem:s31+$0x20] =	vst v2  }
0x73: {  	v2 =	vld [tilespmem:s0+$0xFFFFFFE0];
	[tilespmem:s31+$0xFFFFFFC0] =	vst v4  }
0x74: {  	v4 =	vld [tilespmem:s0+$0xFFFFFFF0]  }
0x75: {  	v7 =	vld [tilespmem:s0+$0xFFFFFF90]  }
0x76: {  	v6 =	vld.idx.msk [tilespmem:v6+s4+$0x0], $0xffff  }
0x77: {  	v8 =	vld.idx.msk [tilespmem:v5+s4+$0x0], $0xffff  }
0x78: {  	v5 =	vld.idx.msk [tilespmem:v3+s4+$0x0], $0xffff  }
.Ltmp4:
0x79: {  	v3 =	vld.idx.msk [tilespmem:v0+s4+$0x0], $0xffff;
	(pc) =	sbr.rel @p2 .LBB2_6-.Ltmp4, $4  }
0x7a: {  	v0 =	vld.idx.msk [tilespmem:v1+s4+$0x0], $0xffff  }
0x7b: {  	s31 =	sadd.s32 $0x80, s31;
	v1 =	vld.idx.msk [tilespmem:v2+s4+$0x0], $0xffff  }
0x7c: {  	v2 =	vld.idx.msk [tilespmem:v4+s4+$0x0], $0xffff;
	[tilespmem:s31+$0x30] =	vst v6  }
0x7d: {  	s0 =	sadd.s32 $0x80, s0;
	v4 =	vld.idx.msk [tilespmem:v7+s4+$0x0], $0xffff;
	[tilespmem:s31+$0xFFFFFFD0] =	vst v8  }
0x7e: {  	[tilespmem:s31+$0xFFFFFFE0] =	vst v5  }
0x7f: {  	[tilespmem:s31+$0xFFFFFFF0] =	vst v3  }
0x80: {  	[tilespmem:s31+$0x0] =	vst v0  }
0x81: {  	[tilespmem:s31+$0x10] =	vst v1  }
0x82: {  	[tilespmem:s31+$0x20] =	vst v2  }
0x83: {  	s0 =	sadd.s32 s30, s9;
	[tilespmem:s31+$0xFFFFFFC0] =	vst v4  }
0x84: {  	[hbm4b:s0+s19] =	stream.strided.scatter [tilespmem:s25], [sflag:$0x3], $0x1000, s20, s19, $0x38;
	[tilespmem:$0x1E700] =	vst v63  }
0x85: {  	_ =	swait.ge [sflag:s26], $0x1000  }
0x86: {  	[sflag:s26] =	ssyncset.done $0x0  }
0x87: {  	s7 =	simm.s32 $0x1A770;
	[sflag:s26] =	ssyncadd.s32 $0xFFFFF000  }
0x88: {  	v0 =	vld [tilespmem:s7+$0x0]  }
0x89: {  	v1 =	vld [tilespmem:s7+$0xFFFFFFA0]  }
0x8a: {  	v2 =	vld [tilespmem:s7+$0xFFFFFFB0]  }
0x8b: {  	v3 =	vld [tilespmem:s7+$0xFFFFFFC0]  }
0x8c: {  	v4 =	vld [tilespmem:s7+$0xFFFFFFD0]  }
0x8d: {  	v6 =	vld [tilespmem:s7+$0xFFFFFFE0]  }
0x8e: {  	v7 =	vld [tilespmem:s7+$0xFFFFFFF0]  }
0x8f: {  	v8 =	vld [tilespmem:s7+$0xFFFFFF90]  }
0x90: {  	v9 =	vld.idx.msk [tilespmem:v0+s4+$0x0], $0xffff  }
0x91: {  	v10 =	vld.idx.msk [tilespmem:v1+s4+$0x0], $0xffff  }
0x92: {  	v5 =	vld.idx.msk [tilespmem:v2+s4+$0x0], $0xffff  }
0x93: {  	v3 =	vld.idx.msk [tilespmem:v3+s4+$0x0], $0xffff  }
0x94: {  	v0 =	vld.idx.msk [tilespmem:v4+s4+$0x0], $0xffff  }
0x95: {  	s31 =	simm.s32 $0x1C740;
	v1 =	vld.idx.msk [tilespmem:v6+s4+$0x0], $0xffff  }
0x96: {  	v2 =	vld.idx.msk [tilespmem:v7+s4+$0x0], $0xffff;
	[tilespmem:s31+$0x30] =	vst v9  }
0x97: {  	s2 =	simm.s32 $0x0;
	s0 =	simm.s32 $0x1A7F0;
	v4 =	vld.idx.msk [tilespmem:v8+s4+$0x0], $0xffff;
	[tilespmem:s31+$0xFFFFFFD0] =	vst v10  }
.LBB2_8:
0x98: {  	v6 =	vld [tilespmem:s0+$0x0];
	s2 =	sadd.s32 $0x8, s2;
	[tilespmem:s31+$0xFFFFFFE0] =	vst v5  }
0x99: {  	v5 =	vld [tilespmem:s0+$0xFFFFFFA0];
	p2 =	slt.u32 s2, $0xF8;
	[tilespmem:s31+$0xFFFFFFF0] =	vst v3  }
0x9a: {  	v3 =	vld [tilespmem:s0+$0xFFFFFFB0];
	[tilespmem:s31+$0x0] =	vst v0  }
0x9b: {  	v0 =	vld [tilespmem:s0+$0xFFFFFFC0];
	[tilespmem:s31+$0x10] =	vst v1  }
0x9c: {  	v1 =	vld [tilespmem:s0+$0xFFFFFFD0];
	[tilespmem:s31+$0x20] =	vst v2  }
0x9d: {  	v2 =	vld [tilespmem:s0+$0xFFFFFFE0];
	[tilespmem:s31+$0xFFFFFFC0] =	vst v4  }
0x9e: {  	v4 =	vld [tilespmem:s0+$0xFFFFFFF0]  }
0x9f: {  	v7 =	vld [tilespmem:s0+$0xFFFFFF90]  }
0xa0: {  	v6 =	vld.idx.msk [tilespmem:v6+s4+$0x0], $0xffff  }
0xa1: {  	v8 =	vld.idx.msk [tilespmem:v5+s4+$0x0], $0xffff  }
0xa2: {  	v5 =	vld.idx.msk [tilespmem:v3+s4+$0x0], $0xffff  }
.Ltmp5:
0xa3: {  	v3 =	vld.idx.msk [tilespmem:v0+s4+$0x0], $0xffff;
	(pc) =	sbr.rel @p2 .LBB2_8-.Ltmp5, $4  }
0xa4: {  	v0 =	vld.idx.msk [tilespmem:v1+s4+$0x0], $0xffff  }
0xa5: {  	s31 =	sadd.s32 $0x80, s31;
	v1 =	vld.idx.msk [tilespmem:v2+s4+$0x0], $0xffff  }
0xa6: {  	v2 =	vld.idx.msk [tilespmem:v4+s4+$0x0], $0xffff;
	[tilespmem:s31+$0x30] =	vst v6  }
0xa7: {  	s0 =	sadd.s32 $0x80, s0;
	v4 =	vld.idx.msk [tilespmem:v7+s4+$0x0], $0xffff;
	[tilespmem:s31+$0xFFFFFFD0] =	vst v8  }
0xa8: {  	[tilespmem:s31+$0xFFFFFFE0] =	vst v5  }
0xa9: {  	[tilespmem:s31+$0xFFFFFFF0] =	vst v3  }
0xaa: {  	[tilespmem:s31+$0x0] =	vst v0  }
0xab: {  	[tilespmem:s31+$0x10] =	vst v1  }
0xac: {  	[tilespmem:s31+$0x20] =	vst v2  }
0xad: {  	s0 =	sadd.s32 s30, s10;
	[tilespmem:s31+$0xFFFFFFC0] =	vst v4  }
0xae: {  	[hbm4b:s0+s19] =	stream.strided.scatter [tilespmem:s24], [sflag:$0x3], $0x1000, s20, s19, $0x38;
	[tilespmem:$0x1E700] =	vst v63  }
0xaf: {  	_ =	swait.ge [sflag:s26], $0x1000  }
0xb0: {  	[sflag:s26] =	ssyncset.done $0x0  }
0xb1: {  	s7 =	simm.s32 $0x1B770;
	[sflag:s26] =	ssyncadd.s32 $0xFFFFF000  }
0xb2: {  	v0 =	vld [tilespmem:s7+$0x0]  }
0xb3: {  	v1 =	vld [tilespmem:s7+$0xFFFFFFA0]  }
0xb4: {  	v2 =	vld [tilespmem:s7+$0xFFFFFFB0]  }
0xb5: {  	v3 =	vld [tilespmem:s7+$0xFFFFFFC0]  }
0xb6: {  	v4 =	vld [tilespmem:s7+$0xFFFFFFD0]  }
0xb7: {  	v6 =	vld [tilespmem:s7+$0xFFFFFFE0]  }
0xb8: {  	v7 =	vld [tilespmem:s7+$0xFFFFFFF0]  }
0xb9: {  	v8 =	vld [tilespmem:s7+$0xFFFFFF90]  }
0xba: {  	v9 =	vld.idx.msk [tilespmem:v0+s4+$0x0], $0xffff  }
0xbb: {  	v10 =	vld.idx.msk [tilespmem:v1+s4+$0x0], $0xffff  }
0xbc: {  	v5 =	vld.idx.msk [tilespmem:v2+s4+$0x0], $0xffff  }
0xbd: {  	v3 =	vld.idx.msk [tilespmem:v3+s4+$0x0], $0xffff  }
0xbe: {  	v0 =	vld.idx.msk [tilespmem:v4+s4+$0x0], $0xffff  }
0xbf: {  	s31 =	simm.s32 $0x1D740;
	v1 =	vld.idx.msk [tilespmem:v6+s4+$0x0], $0xffff  }
0xc0: {  	v2 =	vld.idx.msk [tilespmem:v7+s4+$0x0], $0xffff;
	[tilespmem:s31+$0x30] =	vst v9  }
0xc1: {  	s2 =	simm.s32 $0x0;
	s0 =	simm.s32 $0x1B7F0;
	v4 =	vld.idx.msk [tilespmem:v8+s4+$0x0], $0xffff;
	[tilespmem:s31+$0xFFFFFFD0] =	vst v10  }
.LBB2_10:
0xc2: {  	v6 =	vld [tilespmem:s0+$0x0];
	s2 =	sadd.s32 $0x8, s2;
	[tilespmem:s31+$0xFFFFFFE0] =	vst v5  }
0xc3: {  	v5 =	vld [tilespmem:s0+$0xFFFFFFA0];
	p2 =	slt.u32 s2, $0xF8;
	[tilespmem:s31+$0xFFFFFFF0] =	vst v3  }
0xc4: {  	v3 =	vld [tilespmem:s0+$0xFFFFFFB0];
	[tilespmem:s31+$0x0] =	vst v0  }
0xc5: {  	v0 =	vld [tilespmem:s0+$0xFFFFFFC0];
	[tilespmem:s31+$0x10] =	vst v1  }
0xc6: {  	v1 =	vld [tilespmem:s0+$0xFFFFFFD0];
	[tilespmem:s31+$0x20] =	vst v2  }
0xc7: {  	v2 =	vld [tilespmem:s0+$0xFFFFFFE0];
	[tilespmem:s31+$0xFFFFFFC0] =	vst v4  }
0xc8: {  	v4 =	vld [tilespmem:s0+$0xFFFFFFF0]  }
0xc9: {  	v7 =	vld [tilespmem:s0+$0xFFFFFF90]  }
0xca: {  	v6 =	vld.idx.msk [tilespmem:v6+s4+$0x0], $0xffff  }
0xcb: {  	v8 =	vld.idx.msk [tilespmem:v5+s4+$0x0], $0xffff  }
0xcc: {  	v5 =	vld.idx.msk [tilespmem:v3+s4+$0x0], $0xffff  }
.Ltmp6:
0xcd: {  	v3 =	vld.idx.msk [tilespmem:v0+s4+$0x0], $0xffff;
	(pc) =	sbr.rel @p2 .LBB2_10-.Ltmp6, $4  }
0xce: {  	v0 =	vld.idx.msk [tilespmem:v1+s4+$0x0], $0xffff  }
0xcf: {  	s31 =	sadd.s32 $0x80, s31;
	v1 =	vld.idx.msk [tilespmem:v2+s4+$0x0], $0xffff  }
0xd0: {  	v2 =	vld.idx.msk [tilespmem:v4+s4+$0x0], $0xffff;
	[tilespmem:s31+$0x30] =	vst v6  }
0xd1: {  	s0 =	sadd.s32 $0x80, s0;
	v4 =	vld.idx.msk [tilespmem:v7+s4+$0x0], $0xffff;
	[tilespmem:s31+$0xFFFFFFD0] =	vst v8  }
0xd2: {  	[tilespmem:s31+$0xFFFFFFE0] =	vst v5;
	s29 =	sadd.s32 $0x1, s29  }
0xd3: {  	[tilespmem:s31+$0xFFFFFFF0] =	vst v3;
	p2 =	sne.s32 s29, $0xD  }
.Ltmp7:
0xd4: {  	[tilespmem:s31+$0x0] =	vst v0;
	(pc) =	sbr.rel @p2 .LBB2_3-.Ltmp7, $4  }
0xd5: {  	[tilespmem:s31+$0x10] =	vst v1  }
0xd6: {  	[tilespmem:s31+$0x20] =	vst v2  }
0xd7: {  	s0 =	sadd.s32 s30, s11;
	[tilespmem:s31+$0xFFFFFFC0] =	vst v4  }
0xd8: {  	[hbm4b:s0+s19] =	stream.strided.scatter [tilespmem:s25], [sflag:$0x3], $0x1000, s20, s19, $0x38;
	[tilespmem:$0x1E700] =	vst v63  }
0xd9: {  	[tilespmem:s4], [sflag:$0x1] =	stream.strided.gather [hbm4b:s12+s19], $0x18700, s20, s19, $0x38;
	[tilespmem:$0x1E700] =	vst v63  }
0xda: {  	_ =	swait.ge [sflag:s26], $0x1000  }
0xdb: {  	[sflag:s26] =	ssyncset.done $0x0  }
0xdc: {  	[sflag:s26] =	ssyncadd.s32 $0xFFFFF000  }
0xdd: {  	_ =	swait.ge [sflag:s26], $0x1000  }
0xde: {  	[sflag:s26] =	ssyncset.done $0x0  }
0xdf: {  	[sflag:s26] =	ssyncadd.s32 $0xFFFFF000  }
0xe0: {  	_ =	swait.ge [sflag:s23], $0x18700  }
0xe1: {  	[sflag:s23] =	ssyncset.done $0x0  }
0xe2: {  	s0 =	simm.s32 $0x18740;
	[sflag:s23] =	ssyncadd.s32 $0xFFFE7900  }
0xe3: {  	v0 =	vld [tilespmem:s0+$0x30]  }
0xe4: {  	v1 =	vld [tilespmem:s0+$0xFFFFFFD0]  }
0xe5: {  	v2 =	vld [tilespmem:s0+$0xFFFFFFE0]  }
0xe6: {  	v3 =	vld [tilespmem:s0+$0xFFFFFFF0]  }
0xe7: {  	v4 =	vld [tilespmem:s0+$0x0]  }
0xe8: {  	v6 =	vld [tilespmem:s0+$0x10]  }
0xe9: {  	v7 =	vld [tilespmem:s0+$0x20]  }
0xea: {  	v8 =	vld [tilespmem:s0+$0xFFFFFFC0]  }
0xeb: {  	v9 =	vld.idx.msk [tilespmem:v0+s4+$0x0], $0xffff  }
0xec: {  	v10 =	vld.idx.msk [tilespmem:v1+s4+$0x0], $0xffff  }
0xed: {  	v5 =	vld.idx.msk [tilespmem:v2+s4+$0x0], $0xffff  }
0xee: {  	v3 =	vld.idx.msk [tilespmem:v3+s4+$0x0], $0xffff  }
0xef: {  	v0 =	vld.idx.msk [tilespmem:v4+s4+$0x0], $0xffff  }
0xf0: {  	s29 =	simm.s32 $0x1C740;
	v1 =	vld.idx.msk [tilespmem:v6+s4+$0x0], $0xffff  }
0xf1: {  	v2 =	vld.idx.msk [tilespmem:v7+s4+$0x0], $0xffff;
	[tilespmem:s29+$0x30] =	vst v9  }
0xf2: {  	s2 =	simm.s32 $0x0;
	s0 =	simm.s32 $0x187C0;
	v4 =	vld.idx.msk [tilespmem:v8+s4+$0x0], $0xffff;
	[tilespmem:s29+$0xFFFFFFD0] =	vst v10  }
.LBB2_13:
0xf3: {  	v6 =	vld [tilespmem:s0+$0x30];
	s2 =	sadd.s32 $0x8, s2;
	[tilespmem:s29+$0xFFFFFFE0] =	vst v5  }
0xf4: {  	v5 =	vld [tilespmem:s0+$0xFFFFFFD0];
	p2 =	slt.u32 s2, $0xF8;
	[tilespmem:s29+$0xFFFFFFF0] =	vst v3  }
0xf5: {  	v3 =	vld [tilespmem:s0+$0xFFFFFFE0];
	[tilespmem:s29+$0x0] =	vst v0  }
0xf6: {  	v0 =	vld [tilespmem:s0+$0xFFFFFFF0];
	[tilespmem:s29+$0x10] =	vst v1  }
0xf7: {  	v1 =	vld [tilespmem:s0+$0x0];
	[tilespmem:s29+$0x20] =	vst v2  }
0xf8: {  	v2 =	vld [tilespmem:s0+$0x10];
	[tilespmem:s29+$0xFFFFFFC0] =	vst v4  }
0xf9: {  	v4 =	vld [tilespmem:s0+$0x20]  }
0xfa: {  	v7 =	vld [tilespmem:s0+$0xFFFFFFC0]  }
0xfb: {  	v6 =	vld.idx.msk [tilespmem:v6+s4+$0x0], $0xffff  }
0xfc: {  	v8 =	vld.idx.msk [tilespmem:v5+s4+$0x0], $0xffff  }
0xfd: {  	v5 =	vld.idx.msk [tilespmem:v3+s4+$0x0], $0xffff  }
.Ltmp8:
0xfe: {  	v3 =	vld.idx.msk [tilespmem:v0+s4+$0x0], $0xffff;
	(pc) =	sbr.rel @p2 .LBB2_13-.Ltmp8, $4  }
0xff: {  	v0 =	vld.idx.msk [tilespmem:v1+s4+$0x0], $0xffff  }
0x100: {  	s29 =	sadd.s32 $0x80, s29;
	v1 =	vld.idx.msk [tilespmem:v2+s4+$0x0], $0xffff  }
0x101: {  	v2 =	vld.idx.msk [tilespmem:v4+s4+$0x0], $0xffff;
	[tilespmem:s29+$0x30] =	vst v6  }
0x102: {  	s0 =	sadd.s32 $0x80, s0;
	v4 =	vld.idx.msk [tilespmem:v7+s4+$0x0], $0xffff;
	[tilespmem:s29+$0xFFFFFFD0] =	vst v8  }
0x103: {  	[tilespmem:s29+$0xFFFFFFE0] =	vst v5  }
0x104: {  	[tilespmem:s29+$0xFFFFFFF0] =	vst v3  }
0x105: {  	[tilespmem:s29+$0x0] =	vst v0  }
0x106: {  	[tilespmem:s29+$0x10] =	vst v1  }
0x107: {  	[tilespmem:s29+$0x20] =	vst v2  }
0x108: {  	s0 =	simm.s32 $0x19770;
	[tilespmem:s29+$0xFFFFFFC0] =	vst v4  }
0x109: {  	[hbm4b:s13+s19] =	stream.strided.scatter [tilespmem:s24], [sflag:$0x3], $0x1000, s20, s19, $0x38;
	[tilespmem:$0x1E700] =	vst v63  }
0x10a: {  	v0 =	vld [tilespmem:s0+$0x0]  }
0x10b: {  	v1 =	vld [tilespmem:s0+$0xFFFFFFA0]  }
0x10c: {  	v2 =	vld [tilespmem:s0+$0xFFFFFFB0]  }
0x10d: {  	v3 =	vld [tilespmem:s0+$0xFFFFFFC0]  }
0x10e: {  	v4 =	vld [tilespmem:s0+$0xFFFFFFD0]  }
0x10f: {  	v6 =	vld [tilespmem:s0+$0xFFFFFFE0]  }
0x110: {  	v7 =	vld [tilespmem:s0+$0xFFFFFFF0]  }
0x111: {  	v8 =	vld [tilespmem:s0+$0xFFFFFF90]  }
0x112: {  	v9 =	vld.idx.msk [tilespmem:v0+s4+$0x0], $0xffff  }
0x113: {  	v10 =	vld.idx.msk [tilespmem:v1+s4+$0x0], $0xffff  }
0x114: {  	v5 =	vld.idx.msk [tilespmem:v2+s4+$0x0], $0xffff  }
0x115: {  	v3 =	vld.idx.msk [tilespmem:v3+s4+$0x0], $0xffff  }
0x116: {  	v0 =	vld.idx.msk [tilespmem:v4+s4+$0x0], $0xffff  }
0x117: {  	s29 =	simm.s32 $0x1D740;
	v1 =	vld.idx.msk [tilespmem:v6+s4+$0x0], $0xffff  }
0x118: {  	v2 =	vld.idx.msk [tilespmem:v7+s4+$0x0], $0xffff;
	[tilespmem:s29+$0x30] =	vst v9  }
0x119: {  	s2 =	simm.s32 $0x0;
	s0 =	simm.s32 $0x197F0;
	v4 =	vld.idx.msk [tilespmem:v8+s4+$0x0], $0xffff;
	[tilespmem:s29+$0xFFFFFFD0] =	vst v10  }
.LBB2_15:
0x11a: {  	v6 =	vld [tilespmem:s0+$0x0];
	s2 =	sadd.s32 $0x8, s2;
	[tilespmem:s29+$0xFFFFFFE0] =	vst v5  }
0x11b: {  	v5 =	vld [tilespmem:s0+$0xFFFFFFA0];
	p2 =	slt.u32 s2, $0xF8;
	[tilespmem:s29+$0xFFFFFFF0] =	vst v3  }
0x11c: {  	v3 =	vld [tilespmem:s0+$0xFFFFFFB0];
	[tilespmem:s29+$0x0] =	vst v0  }
0x11d: {  	v0 =	vld [tilespmem:s0+$0xFFFFFFC0];
	[tilespmem:s29+$0x10] =	vst v1  }
0x11e: {  	v1 =	vld [tilespmem:s0+$0xFFFFFFD0];
	[tilespmem:s29+$0x20] =	vst v2  }
0x11f: {  	v2 =	vld [tilespmem:s0+$0xFFFFFFE0];
	[tilespmem:s29+$0xFFFFFFC0] =	vst v4  }
0x120: {  	v4 =	vld [tilespmem:s0+$0xFFFFFFF0]  }
0x121: {  	v7 =	vld [tilespmem:s0+$0xFFFFFF90]  }
0x122: {  	v6 =	vld.idx.msk [tilespmem:v6+s4+$0x0], $0xffff  }
0x123: {  	v8 =	vld.idx.msk [tilespmem:v5+s4+$0x0], $0xffff  }
0x124: {  	v5 =	vld.idx.msk [tilespmem:v3+s4+$0x0], $0xffff  }
.Ltmp9:
0x125: {  	v3 =	vld.idx.msk [tilespmem:v0+s4+$0x0], $0xffff;
	(pc) =	sbr.rel @p2 .LBB2_15-.Ltmp9, $4  }
0x126: {  	v0 =	vld.idx.msk [tilespmem:v1+s4+$0x0], $0xffff  }
0x127: {  	s29 =	sadd.s32 $0x80, s29;
	v1 =	vld.idx.msk [tilespmem:v2+s4+$0x0], $0xffff  }
0x128: {  	v2 =	vld.idx.msk [tilespmem:v4+s4+$0x0], $0xffff;
	[tilespmem:s29+$0x30] =	vst v6  }
0x129: {  	s0 =	sadd.s32 $0x80, s0;
	v4 =	vld.idx.msk [tilespmem:v7+s4+$0x0], $0xffff;
	[tilespmem:s29+$0xFFFFFFD0] =	vst v8  }
0x12a: {  	[tilespmem:s29+$0xFFFFFFE0] =	vst v5  }
0x12b: {  	[tilespmem:s29+$0xFFFFFFF0] =	vst v3  }
0x12c: {  	[tilespmem:s29+$0x0] =	vst v0  }
0x12d: {  	[tilespmem:s29+$0x10] =	vst v1  }
0x12e: {  	[tilespmem:s29+$0x20] =	vst v2  }
0x12f: {  	[tilespmem:s29+$0xFFFFFFC0] =	vst v4  }
0x130: {  	[hbm4b:s14+s19] =	stream.strided.scatter [tilespmem:s25], [sflag:$0x3], $0x1000, s20, s19, $0x38;
	[tilespmem:$0x1E700] =	vst v63  }
0x131: {  	_ =	swait.ge [sflag:s26], $0x1000  }
0x132: {  	[sflag:s26] =	ssyncset.done $0x0  }
0x133: {  	s0 =	simm.s32 $0x1A770;
	[sflag:s26] =	ssyncadd.s32 $0xFFFFF000  }
0x134: {  	v0 =	vld [tilespmem:s0+$0x0]  }
0x135: {  	v1 =	vld [tilespmem:s0+$0xFFFFFFA0]  }
0x136: {  	v2 =	vld [tilespmem:s0+$0xFFFFFFB0]  }
0x137: {  	v3 =	vld [tilespmem:s0+$0xFFFFFFC0]  }
0x138: {  	v4 =	vld [tilespmem:s0+$0xFFFFFFD0]  }
0x139: {  	v6 =	vld [tilespmem:s0+$0xFFFFFFE0]  }
0x13a: {  	v7 =	vld [tilespmem:s0+$0xFFFFFFF0]  }
0x13b: {  	v8 =	vld [tilespmem:s0+$0xFFFFFF90]  }
0x13c: {  	v9 =	vld.idx.msk [tilespmem:v0+s4+$0x0], $0xffff  }
0x13d: {  	v10 =	vld.idx.msk [tilespmem:v1+s4+$0x0], $0xffff  }
0x13e: {  	v5 =	vld.idx.msk [tilespmem:v2+s4+$0x0], $0xffff  }
0x13f: {  	v3 =	vld.idx.msk [tilespmem:v3+s4+$0x0], $0xffff  }
0x140: {  	v0 =	vld.idx.msk [tilespmem:v4+s4+$0x0], $0xffff  }
0x141: {  	s29 =	simm.s32 $0x1C740;
	v1 =	vld.idx.msk [tilespmem:v6+s4+$0x0], $0xffff  }
0x142: {  	v2 =	vld.idx.msk [tilespmem:v7+s4+$0x0], $0xffff;
	[tilespmem:s29+$0x30] =	vst v9  }
0x143: {  	s2 =	simm.s32 $0x0;
	s0 =	simm.s32 $0x1A7F0;
	v4 =	vld.idx.msk [tilespmem:v8+s4+$0x0], $0xffff;
	[tilespmem:s29+$0xFFFFFFD0] =	vst v10  }
.LBB2_17:
0x144: {  	v6 =	vld [tilespmem:s0+$0x0];
	s2 =	sadd.s32 $0x8, s2;
	[tilespmem:s29+$0xFFFFFFE0] =	vst v5  }
0x145: {  	v5 =	vld [tilespmem:s0+$0xFFFFFFA0];
	p2 =	slt.u32 s2, $0xF8;
	[tilespmem:s29+$0xFFFFFFF0] =	vst v3  }
0x146: {  	v3 =	vld [tilespmem:s0+$0xFFFFFFB0];
	[tilespmem:s29+$0x0] =	vst v0  }
0x147: {  	v0 =	vld [tilespmem:s0+$0xFFFFFFC0];
	[tilespmem:s29+$0x10] =	vst v1  }
0x148: {  	v1 =	vld [tilespmem:s0+$0xFFFFFFD0];
	[tilespmem:s29+$0x20] =	vst v2  }
0x149: {  	v2 =	vld [tilespmem:s0+$0xFFFFFFE0];
	[tilespmem:s29+$0xFFFFFFC0] =	vst v4  }
0x14a: {  	v4 =	vld [tilespmem:s0+$0xFFFFFFF0]  }
0x14b: {  	v7 =	vld [tilespmem:s0+$0xFFFFFF90]  }
0x14c: {  	v6 =	vld.idx.msk [tilespmem:v6+s4+$0x0], $0xffff  }
0x14d: {  	v8 =	vld.idx.msk [tilespmem:v5+s4+$0x0], $0xffff  }
0x14e: {  	v5 =	vld.idx.msk [tilespmem:v3+s4+$0x0], $0xffff  }
.Ltmp10:
0x14f: {  	v3 =	vld.idx.msk [tilespmem:v0+s4+$0x0], $0xffff;
	(pc) =	sbr.rel @p2 .LBB2_17-.Ltmp10, $4  }
0x150: {  	v0 =	vld.idx.msk [tilespmem:v1+s4+$0x0], $0xffff  }
0x151: {  	s29 =	sadd.s32 $0x80, s29;
	v1 =	vld.idx.msk [tilespmem:v2+s4+$0x0], $0xffff  }
0x152: {  	v2 =	vld.idx.msk [tilespmem:v4+s4+$0x0], $0xffff;
	[tilespmem:s29+$0x30] =	vst v6  }
0x153: {  	s0 =	sadd.s32 $0x80, s0;
	v4 =	vld.idx.msk [tilespmem:v7+s4+$0x0], $0xffff;
	[tilespmem:s29+$0xFFFFFFD0] =	vst v8  }
0x154: {  	[tilespmem:s29+$0xFFFFFFE0] =	vst v5  }
0x155: {  	[tilespmem:s29+$0xFFFFFFF0] =	vst v3  }
0x156: {  	[tilespmem:s29+$0x0] =	vst v0  }
0x157: {  	[tilespmem:s29+$0x10] =	vst v1  }
0x158: {  	[tilespmem:s29+$0x20] =	vst v2  }
0x159: {  	[tilespmem:s29+$0xFFFFFFC0] =	vst v4  }
0x15a: {  	[hbm4b:s15+s19] =	stream.strided.scatter [tilespmem:s24], [sflag:$0x3], $0x1000, s20, s19, $0x38;
	[tilespmem:$0x1E700] =	vst v63  }
0x15b: {  	_ =	swait.ge [sflag:s26], $0x1000  }
0x15c: {  	[sflag:s26] =	ssyncset.done $0x0  }
0x15d: {  	s0 =	simm.s32 $0x1B770;
	[sflag:s26] =	ssyncadd.s32 $0xFFFFF000  }
0x15e: {  	v0 =	vld [tilespmem:s0+$0x0]  }
0x15f: {  	v1 =	vld [tilespmem:s0+$0xFFFFFFA0]  }
0x160: {  	v2 =	vld [tilespmem:s0+$0xFFFFFFB0]  }
0x161: {  	v3 =	vld [tilespmem:s0+$0xFFFFFFC0]  }
0x162: {  	v4 =	vld [tilespmem:s0+$0xFFFFFFD0]  }
0x163: {  	v6 =	vld [tilespmem:s0+$0xFFFFFFE0]  }
0x164: {  	v7 =	vld [tilespmem:s0+$0xFFFFFFF0]  }
0x165: {  	v8 =	vld [tilespmem:s0+$0xFFFFFF90]  }
0x166: {  	v9 =	vld.idx.msk [tilespmem:v0+s4+$0x0], $0xffff  }
0x167: {  	v10 =	vld.idx.msk [tilespmem:v1+s4+$0x0], $0xffff  }
0x168: {  	v5 =	vld.idx.msk [tilespmem:v2+s4+$0x0], $0xffff  }
0x169: {  	v3 =	vld.idx.msk [tilespmem:v3+s4+$0x0], $0xffff  }
0x16a: {  	v0 =	vld.idx.msk [tilespmem:v4+s4+$0x0], $0xffff  }
0x16b: {  	s29 =	simm.s32 $0x1D740;
	v1 =	vld.idx.msk [tilespmem:v6+s4+$0x0], $0xffff  }
0x16c: {  	v2 =	vld.idx.msk [tilespmem:v7+s4+$0x0], $0xffff;
	[tilespmem:s29+$0x30] =	vst v9  }
0x16d: {  	s2 =	simm.s32 $0x0;
	s0 =	simm.s32 $0x1B7F0;
	v4 =	vld.idx.msk [tilespmem:v8+s4+$0x0], $0xffff;
	[tilespmem:s29+$0xFFFFFFD0] =	vst v10  }
.LBB2_19:
0x16e: {  	v6 =	vld [tilespmem:s0+$0x0];
	s2 =	sadd.s32 $0x8, s2;
	[tilespmem:s29+$0xFFFFFFE0] =	vst v5  }
0x16f: {  	v5 =	vld [tilespmem:s0+$0xFFFFFFA0];
	p2 =	slt.u32 s2, $0xF8;
	[tilespmem:s29+$0xFFFFFFF0] =	vst v3  }
0x170: {  	v3 =	vld [tilespmem:s0+$0xFFFFFFB0];
	[tilespmem:s29+$0x0] =	vst v0  }
0x171: {  	v0 =	vld [tilespmem:s0+$0xFFFFFFC0];
	[tilespmem:s29+$0x10] =	vst v1  }
0x172: {  	v1 =	vld [tilespmem:s0+$0xFFFFFFD0];
	[tilespmem:s29+$0x20] =	vst v2  }
0x173: {  	v2 =	vld [tilespmem:s0+$0xFFFFFFE0];
	[tilespmem:s29+$0xFFFFFFC0] =	vst v4  }
0x174: {  	v4 =	vld [tilespmem:s0+$0xFFFFFFF0]  }
0x175: {  	v7 =	vld [tilespmem:s0+$0xFFFFFF90]  }
0x176: {  	v6 =	vld.idx.msk [tilespmem:v6+s4+$0x0], $0xffff  }
0x177: {  	v8 =	vld.idx.msk [tilespmem:v5+s4+$0x0], $0xffff  }
0x178: {  	v5 =	vld.idx.msk [tilespmem:v3+s4+$0x0], $0xffff  }
.Ltmp11:
0x179: {  	v3 =	vld.idx.msk [tilespmem:v0+s4+$0x0], $0xffff;
	(pc) =	sbr.rel @p2 .LBB2_19-.Ltmp11, $4  }
0x17a: {  	v0 =	vld.idx.msk [tilespmem:v1+s4+$0x0], $0xffff  }
0x17b: {  	s29 =	sadd.s32 $0x80, s29;
	v1 =	vld.idx.msk [tilespmem:v2+s4+$0x0], $0xffff  }
0x17c: {  	v2 =	vld.idx.msk [tilespmem:v4+s4+$0x0], $0xffff;
	[tilespmem:s29+$0x30] =	vst v6  }
0x17d: {  	s0 =	sadd.s32 $0x80, s0;
	v4 =	vld.idx.msk [tilespmem:v7+s4+$0x0], $0xffff;
	[tilespmem:s29+$0xFFFFFFD0] =	vst v8  }
0x17e: {  	[tilespmem:s29+$0xFFFFFFE0] =	vst v5  }
0x17f: {  	[tilespmem:s29+$0xFFFFFFF0] =	vst v3  }
.Ltmp12:
0x180: {  	[tilespmem:s29+$0x0] =	vst v0;
	(pc) =	sbr.rel @p1 .LBB2_31-.Ltmp12, $4  }
0x181: {  	[tilespmem:s29+$0x10] =	vst v1  }
0x182: {  	[tilespmem:s29+$0x20] =	vst v2  }
0x183: {  	[tilespmem:s29+$0xFFFFFFC0] =	vst v4  }
0x184: {  	[hbm4b:s16+s19] =	stream.strided.scatter [tilespmem:s25], [sflag:$0x3], $0x1000, s20, s19, $0x38;
	[tilespmem:$0x1E700] =	vst v63  }
.LBB2_21:
0x185: {  	s29 =	simm.s32 $0x0  }
.LBB2_22:
0x186: {  	s30 =	sadd.s32 s17, s29  }
0x187: {  	s0 =	smulhi.u32 $0x4EC4EC4F, s30;
	_ =	sdelay $0x1  }
0x188: {  	s2 =	sshrl.u32 s0, $0x3  }
0x189: {  	s31 =	smul.u32 $0x1A, s2;
	_ =	sdelay $0x1  }
0x18a: {  	s31 =	ssub.s32 s30, s31  }
0x18b: {  	s7 =	sshll.u32 s31, $0x4  }
0x18c: {  	s2 =	sadd.s32 s2, s7  }
0x18d: {  	s2 =	sshrl.u32 s2, $0x3  }
0x18e: {  	s0 =	sshll.u32 s0, $0x4;
	s2 =	smul.u32 $0xC3800, s2  }
0x18f: {  	s0 =	sand.u32 $0x380, s0  }
0x190: {  	s0 =	sor.u32 s0, s2  }
0x191: {  	s0 =	sshrl.u32 s0, $0x3  }
0x192: {  	s7 =	sand.u32 $0x70, s7;
	s2 =	sshll.u32 s31, $0xB;
	s0 =	sadd.s32 s3, s0  }
0x193: {  	[tilespmem:s4], [sflag:$0x1] =	stream.strided.gather [hbm4b:s0+s19], $0x18700, s20, s19, $0x38;
	[tilespmem:$0x1E700] =	vst v63  }
0x194: {  	s0 =	sand.u32 $0xC000, s2;
	s2 =	sadd.s32 s5, s7  }
0x195: {  	p2 =	seq.s32 s29, $0x0;
	s0 =	sadd.s32 s0, s2  }
0x196: {  	[tilespmem:s21], [sflag:$0x2] =	stream.strided.gather [hbm4b:s0+s19], $0x4000, s20, s19, $0x38;
	[tilespmem:$0x1E700] =	vst v63  }
0x197: {  	s0 =	simm.s32 @!p2 $0x3  }
0x198: {  	_ =	swait.ge @!p2 [sflag:s0], $0x1000  }
0x199: {  	[sflag:s0] =	ssyncset.done @!p2 $0x0  }
0x19a: {  	[sflag:s0] =	ssyncadd.s32 @!p2 $0xFFFFF000  }
0x19b: {  	_ =	swait.ge @!p2 [sflag:s0], $0x1000  }
0x19c: {  	[sflag:s0] =	ssyncset.done @!p2 $0x0  }
0x19d: {  	[sflag:s0] =	ssyncadd.s32 @!p2 $0xFFFFF000  }
0x19e: {  	_ =	swait.ge [sflag:s23], $0x18700  }
0x19f: {  	[sflag:s23] =	ssyncset.done $0x0  }
0x1a0: {  	[sflag:s23] =	ssyncadd.s32 $0xFFFE7900  }
0x1a1: {  	_ =	swait.ge [sflag:s22], $0x4000  }
0x1a2: {  	[sflag:s22] =	ssyncset.done $0x0  }
0x1a3: {  	s7 =	simm.s32 $0x18740;
	[sflag:s22] =	ssyncadd.s32 $0xFFFFC000  }
0x1a4: {  	v0 =	vld [tilespmem:s7+$0x30]  }
0x1a5: {  	v1 =	vld [tilespmem:s7+$0xFFFFFFD0]  }
0x1a6: {  	v2 =	vld [tilespmem:s7+$0xFFFFFFE0]  }
0x1a7: {  	v3 =	vld [tilespmem:s7+$0xFFFFFFF0]  }
0x1a8: {  	v6 =	vld [tilespmem:s7+$0x0]  }
0x1a9: {  	v7 =	vld [tilespmem:s7+$0x10]  }
0x1aa: {  	v8 =	vld [tilespmem:s7+$0x20]  }
0x1ab: {  	v9 =	vld [tilespmem:s7+$0xFFFFFFC0]  }
0x1ac: {  	v10 =	vld.idx.msk [tilespmem:v0+s4+$0x0], $0xffff  }
0x1ad: {  	v11 =	vld.idx.msk [tilespmem:v1+s4+$0x0], $0xffff  }
0x1ae: {  	v5 =	vld.idx.msk [tilespmem:v2+s4+$0x0], $0xffff  }
0x1af: {  	v4 =	vld.idx.msk [tilespmem:v3+s4+$0x0], $0xffff  }
0x1b0: {  	v3 =	vld.idx.msk [tilespmem:v6+s4+$0x0], $0xffff  }
0x1b1: {  	s31 =	simm.s32 $0x1C740;
	v2 =	vld.idx.msk [tilespmem:v7+s4+$0x0], $0xffff  }
0x1b2: {  	v0 =	vld.idx.msk [tilespmem:v8+s4+$0x0], $0xffff;
	[tilespmem:s31+$0x30] =	vst v10  }
0x1b3: {  	s2 =	simm.s32 $0x0;
	s0 =	simm.s32 $0x187C0;
	v1 =	vld.idx.msk [tilespmem:v9+s4+$0x0], $0xffff;
	[tilespmem:s31+$0xFFFFFFD0] =	vst v11  }
.LBB2_23:
0x1b4: {  	v6 =	vld [tilespmem:s0+$0x30];
	s2 =	sadd.s32 $0x8, s2;
	[tilespmem:s31+$0xFFFFFFE0] =	vst v5  }
0x1b5: {  	v5 =	vld [tilespmem:s0+$0xFFFFFFD0];
	p2 =	slt.u32 s2, $0xF8;
	[tilespmem:s31+$0xFFFFFFF0] =	vst v4  }
0x1b6: {  	v4 =	vld [tilespmem:s0+$0xFFFFFFE0];
	[tilespmem:s31+$0x0] =	vst v3  }
0x1b7: {  	v3 =	vld [tilespmem:s0+$0xFFFFFFF0];
	[tilespmem:s31+$0x10] =	vst v2  }
0x1b8: {  	v2 =	vld [tilespmem:s0+$0x0];
	[tilespmem:s31+$0x20] =	vst v0  }
0x1b9: {  	v0 =	vld [tilespmem:s0+$0x10];
	[tilespmem:s31+$0xFFFFFFC0] =	vst v1  }
0x1ba: {  	v1 =	vld [tilespmem:s0+$0x20]  }
0x1bb: {  	v7 =	vld [tilespmem:s0+$0xFFFFFFC0]  }
0x1bc: {  	v6 =	vld.idx.msk [tilespmem:v6+s4+$0x0], $0xffff  }
0x1bd: {  	v8 =	vld.idx.msk [tilespmem:v5+s4+$0x0], $0xffff  }
0x1be: {  	v5 =	vld.idx.msk [tilespmem:v4+s4+$0x0], $0xffff  }
.Ltmp13:
0x1bf: {  	v4 =	vld.idx.msk [tilespmem:v3+s4+$0x0], $0xffff;
	(pc) =	sbr.rel @p2 .LBB2_23-.Ltmp13, $4  }
0x1c0: {  	v3 =	vld.idx.msk [tilespmem:v2+s4+$0x0], $0xffff  }
0x1c1: {  	s31 =	sadd.s32 $0x80, s31;
	v2 =	vld.idx.msk [tilespmem:v0+s4+$0x0], $0xffff  }
0x1c2: {  	v0 =	vld.idx.msk [tilespmem:v1+s4+$0x0], $0xffff;
	[tilespmem:s31+$0x30] =	vst v6  }
0x1c3: {  	s0 =	sadd.s32 $0x80, s0;
	v1 =	vld.idx.msk [tilespmem:v7+s4+$0x0], $0xffff;
	[tilespmem:s31+$0xFFFFFFD0] =	vst v8  }
0x1c4: {  	[tilespmem:s31+$0xFFFFFFE0] =	vst v5  }
0x1c5: {  	[tilespmem:s31+$0xFFFFFFF0] =	vst v4  }
0x1c6: {  	s0 =	sshll.u32 s30, $0xB;
	s2 =	sshll.u32 s30, $0x4;
	[tilespmem:s31+$0x0] =	vst v3  }
0x1c7: {  	s0 =	sand.u32 $0xFFFC000, s0;
	s2 =	sand.u32 $0x70, s2;
	[tilespmem:s31+$0x10] =	vst v2  }
0x1c8: {  	s30 =	sor.u32 s2, s0;
	[tilespmem:s31+$0x20] =	vst v0  }
0x1c9: {  	s7 =	simm.s32 $0x19770;
	s0 =	sadd.s32 s6, s30;
	[tilespmem:s31+$0xFFFFFFC0] =	vst v1  }
0x1ca: {  	[hbm4b:s0+s19] =	stream.strided.scatter [tilespmem:s24], [sflag:$0x3], $0x1000, s20, s19, $0x38;
	[tilespmem:$0x1E700] =	vst v63  }
0x1cb: {  	v0 =	vld [tilespmem:s7+$0x0]  }
0x1cc: {  	v1 =	vld [tilespmem:s7+$0xFFFFFFA0]  }
0x1cd: {  	v2 =	vld [tilespmem:s7+$0xFFFFFFB0]  }
0x1ce: {  	v3 =	vld [tilespmem:s7+$0xFFFFFFC0]  }
0x1cf: {  	v4 =	vld [tilespmem:s7+$0xFFFFFFD0]  }
0x1d0: {  	v6 =	vld [tilespmem:s7+$0xFFFFFFE0]  }
0x1d1: {  	v7 =	vld [tilespmem:s7+$0xFFFFFFF0]  }
0x1d2: {  	v8 =	vld [tilespmem:s7+$0xFFFFFF90]  }
0x1d3: {  	v9 =	vld.idx.msk [tilespmem:v0+s4+$0x0], $0xffff  }
0x1d4: {  	v10 =	vld.idx.msk [tilespmem:v1+s4+$0x0], $0xffff  }
0x1d5: {  	v5 =	vld.idx.msk [tilespmem:v2+s4+$0x0], $0xffff  }
0x1d6: {  	v3 =	vld.idx.msk [tilespmem:v3+s4+$0x0], $0xffff  }
0x1d7: {  	v0 =	vld.idx.msk [tilespmem:v4+s4+$0x0], $0xffff  }
0x1d8: {  	s31 =	simm.s32 $0x1D740;
	v1 =	vld.idx.msk [tilespmem:v6+s4+$0x0], $0xffff  }
0x1d9: {  	v2 =	vld.idx.msk [tilespmem:v7+s4+$0x0], $0xffff;
	[tilespmem:s31+$0x30] =	vst v9  }
0x1da: {  	s2 =	simm.s32 $0x0;
	s0 =	simm.s32 $0x197F0;
	v4 =	vld.idx.msk [tilespmem:v8+s4+$0x0], $0xffff;
	[tilespmem:s31+$0xFFFFFFD0] =	vst v10  }
.LBB2_25:
0x1db: {  	v6 =	vld [tilespmem:s0+$0x0];
	s2 =	sadd.s32 $0x8, s2;
	[tilespmem:s31+$0xFFFFFFE0] =	vst v5  }
0x1dc: {  	v5 =	vld [tilespmem:s0+$0xFFFFFFA0];
	p2 =	slt.u32 s2, $0xF8;
	[tilespmem:s31+$0xFFFFFFF0] =	vst v3  }
0x1dd: {  	v3 =	vld [tilespmem:s0+$0xFFFFFFB0];
	[tilespmem:s31+$0x0] =	vst v0  }
0x1de: {  	v0 =	vld [tilespmem:s0+$0xFFFFFFC0];
	[tilespmem:s31+$0x10] =	vst v1  }
0x1df: {  	v1 =	vld [tilespmem:s0+$0xFFFFFFD0];
	[tilespmem:s31+$0x20] =	vst v2  }
0x1e0: {  	v2 =	vld [tilespmem:s0+$0xFFFFFFE0];
	[tilespmem:s31+$0xFFFFFFC0] =	vst v4  }
0x1e1: {  	v4 =	vld [tilespmem:s0+$0xFFFFFFF0]  }
0x1e2: {  	v7 =	vld [tilespmem:s0+$0xFFFFFF90]  }
0x1e3: {  	v6 =	vld.idx.msk [tilespmem:v6+s4+$0x0], $0xffff  }
0x1e4: {  	v8 =	vld.idx.msk [tilespmem:v5+s4+$0x0], $0xffff  }
0x1e5: {  	v5 =	vld.idx.msk [tilespmem:v3+s4+$0x0], $0xffff  }
.Ltmp14:
0x1e6: {  	v3 =	vld.idx.msk [tilespmem:v0+s4+$0x0], $0xffff;
	(pc) =	sbr.rel @p2 .LBB2_25-.Ltmp14, $4  }
0x1e7: {  	v0 =	vld.idx.msk [tilespmem:v1+s4+$0x0], $0xffff  }
0x1e8: {  	s31 =	sadd.s32 $0x80, s31;
	v1 =	vld.idx.msk [tilespmem:v2+s4+$0x0], $0xffff  }
0x1e9: {  	v2 =	vld.idx.msk [tilespmem:v4+s4+$0x0], $0xffff;
	[tilespmem:s31+$0x30] =	vst v6  }
0x1ea: {  	s0 =	sadd.s32 $0x80, s0;
	v4 =	vld.idx.msk [tilespmem:v7+s4+$0x0], $0xffff;
	[tilespmem:s31+$0xFFFFFFD0] =	vst v8  }
0x1eb: {  	[tilespmem:s31+$0xFFFFFFE0] =	vst v5  }
0x1ec: {  	[tilespmem:s31+$0xFFFFFFF0] =	vst v3  }
0x1ed: {  	[tilespmem:s31+$0x0] =	vst v0  }
0x1ee: {  	[tilespmem:s31+$0x10] =	vst v1  }
0x1ef: {  	[tilespmem:s31+$0x20] =	vst v2  }
0x1f0: {  	s0 =	sadd.s32 s30, s9;
	[tilespmem:s31+$0xFFFFFFC0] =	vst v4  }
0x1f1: {  	[hbm4b:s0+s19] =	stream.strided.scatter [tilespmem:s25], [sflag:$0x3], $0x1000, s20, s19, $0x38;
	[tilespmem:$0x1E700] =	vst v63  }
0x1f2: {  	_ =	swait.ge [sflag:s26], $0x1000  }
0x1f3: {  	[sflag:s26] =	ssyncset.done $0x0  }
0x1f4: {  	s7 =	simm.s32 $0x1A770;
	[sflag:s26] =	ssyncadd.s32 $0xFFFFF000  }
0x1f5: {  	v0 =	vld [tilespmem:s7+$0x0]  }
0x1f6: {  	v1 =	vld [tilespmem:s7+$0xFFFFFFA0]  }
0x1f7: {  	v2 =	vld [tilespmem:s7+$0xFFFFFFB0]  }
0x1f8: {  	v3 =	vld [tilespmem:s7+$0xFFFFFFC0]  }
0x1f9: {  	v4 =	vld [tilespmem:s7+$0xFFFFFFD0]  }
0x1fa: {  	v6 =	vld [tilespmem:s7+$0xFFFFFFE0]  }
0x1fb: {  	v7 =	vld [tilespmem:s7+$0xFFFFFFF0]  }
0x1fc: {  	v8 =	vld [tilespmem:s7+$0xFFFFFF90]  }
0x1fd: {  	v9 =	vld.idx.msk [tilespmem:v0+s4+$0x0], $0xffff  }
0x1fe: {  	v10 =	vld.idx.msk [tilespmem:v1+s4+$0x0], $0xffff  }
0x1ff: {  	v5 =	vld.idx.msk [tilespmem:v2+s4+$0x0], $0xffff  }
0x200: {  	v3 =	vld.idx.msk [tilespmem:v3+s4+$0x0], $0xffff  }
0x201: {  	v0 =	vld.idx.msk [tilespmem:v4+s4+$0x0], $0xffff  }
0x202: {  	s31 =	simm.s32 $0x1C740;
	v1 =	vld.idx.msk [tilespmem:v6+s4+$0x0], $0xffff  }
0x203: {  	v2 =	vld.idx.msk [tilespmem:v7+s4+$0x0], $0xffff;
	[tilespmem:s31+$0x30] =	vst v9  }
0x204: {  	s2 =	simm.s32 $0x0;
	s0 =	simm.s32 $0x1A7F0;
	v4 =	vld.idx.msk [tilespmem:v8+s4+$0x0], $0xffff;
	[tilespmem:s31+$0xFFFFFFD0] =	vst v10  }
.LBB2_27:
0x205: {  	v6 =	vld [tilespmem:s0+$0x0];
	s2 =	sadd.s32 $0x8, s2;
	[tilespmem:s31+$0xFFFFFFE0] =	vst v5  }
0x206: {  	v5 =	vld [tilespmem:s0+$0xFFFFFFA0];
	p2 =	slt.u32 s2, $0xF8;
	[tilespmem:s31+$0xFFFFFFF0] =	vst v3  }
0x207: {  	v3 =	vld [tilespmem:s0+$0xFFFFFFB0];
	[tilespmem:s31+$0x0] =	vst v0  }
0x208: {  	v0 =	vld [tilespmem:s0+$0xFFFFFFC0];
	[tilespmem:s31+$0x10] =	vst v1  }
0x209: {  	v1 =	vld [tilespmem:s0+$0xFFFFFFD0];
	[tilespmem:s31+$0x20] =	vst v2  }
0x20a: {  	v2 =	vld [tilespmem:s0+$0xFFFFFFE0];
	[tilespmem:s31+$0xFFFFFFC0] =	vst v4  }
0x20b: {  	v4 =	vld [tilespmem:s0+$0xFFFFFFF0]  }
0x20c: {  	v7 =	vld [tilespmem:s0+$0xFFFFFF90]  }
0x20d: {  	v6 =	vld.idx.msk [tilespmem:v6+s4+$0x0], $0xffff  }
0x20e: {  	v8 =	vld.idx.msk [tilespmem:v5+s4+$0x0], $0xffff  }
0x20f: {  	v5 =	vld.idx.msk [tilespmem:v3+s4+$0x0], $0xffff  }
.Ltmp15:
0x210: {  	v3 =	vld.idx.msk [tilespmem:v0+s4+$0x0], $0xffff;
	(pc) =	sbr.rel @p2 .LBB2_27-.Ltmp15, $4  }
0x211: {  	v0 =	vld.idx.msk [tilespmem:v1+s4+$0x0], $0xffff  }
0x212: {  	s31 =	sadd.s32 $0x80, s31;
	v1 =	vld.idx.msk [tilespmem:v2+s4+$0x0], $0xffff  }
0x213: {  	v2 =	vld.idx.msk [tilespmem:v4+s4+$0x0], $0xffff;
	[tilespmem:s31+$0x30] =	vst v6  }
0x214: {  	s0 =	sadd.s32 $0x80, s0;
	v4 =	vld.idx.msk [tilespmem:v7+s4+$0x0], $0xffff;
	[tilespmem:s31+$0xFFFFFFD0] =	vst v8  }
0x215: {  	[tilespmem:s31+$0xFFFFFFE0] =	vst v5  }
0x216: {  	[tilespmem:s31+$0xFFFFFFF0] =	vst v3  }
0x217: {  	[tilespmem:s31+$0x0] =	vst v0  }
0x218: {  	[tilespmem:s31+$0x10] =	vst v1  }
0x219: {  	[tilespmem:s31+$0x20] =	vst v2  }
0x21a: {  	s0 =	sadd.s32 s30, s10;
	[tilespmem:s31+$0xFFFFFFC0] =	vst v4  }
0x21b: {  	[hbm4b:s0+s19] =	stream.strided.scatter [tilespmem:s24], [sflag:$0x3], $0x1000, s20, s19, $0x38;
	[tilespmem:$0x1E700] =	vst v63  }
0x21c: {  	_ =	swait.ge [sflag:s26], $0x1000  }
0x21d: {  	[sflag:s26] =	ssyncset.done $0x0  }
0x21e: {  	s7 =	simm.s32 $0x1B770;
	[sflag:s26] =	ssyncadd.s32 $0xFFFFF000  }
0x21f: {  	v0 =	vld [tilespmem:s7+$0x0]  }
0x220: {  	v1 =	vld [tilespmem:s7+$0xFFFFFFA0]  }
0x221: {  	v2 =	vld [tilespmem:s7+$0xFFFFFFB0]  }
0x222: {  	v3 =	vld [tilespmem:s7+$0xFFFFFFC0]  }
0x223: {  	v4 =	vld [tilespmem:s7+$0xFFFFFFD0]  }
0x224: {  	v6 =	vld [tilespmem:s7+$0xFFFFFFE0]  }
0x225: {  	v7 =	vld [tilespmem:s7+$0xFFFFFFF0]  }
0x226: {  	v8 =	vld [tilespmem:s7+$0xFFFFFF90]  }
0x227: {  	v9 =	vld.idx.msk [tilespmem:v0+s4+$0x0], $0xffff  }
0x228: {  	v10 =	vld.idx.msk [tilespmem:v1+s4+$0x0], $0xffff  }
0x229: {  	v5 =	vld.idx.msk [tilespmem:v2+s4+$0x0], $0xffff  }
0x22a: {  	v3 =	vld.idx.msk [tilespmem:v3+s4+$0x0], $0xffff  }
0x22b: {  	v0 =	vld.idx.msk [tilespmem:v4+s4+$0x0], $0xffff  }
0x22c: {  	s31 =	simm.s32 $0x1D740;
	v1 =	vld.idx.msk [tilespmem:v6+s4+$0x0], $0xffff  }
0x22d: {  	v2 =	vld.idx.msk [tilespmem:v7+s4+$0x0], $0xffff;
	[tilespmem:s31+$0x30] =	vst v9  }
0x22e: {  	s2 =	simm.s32 $0x0;
	s0 =	simm.s32 $0x1B7F0;
	v4 =	vld.idx.msk [tilespmem:v8+s4+$0x0], $0xffff;
	[tilespmem:s31+$0xFFFFFFD0] =	vst v10  }
.LBB2_29:
0x22f: {  	v6 =	vld [tilespmem:s0+$0x0];
	s2 =	sadd.s32 $0x8, s2;
	[tilespmem:s31+$0xFFFFFFE0] =	vst v5  }
0x230: {  	v5 =	vld [tilespmem:s0+$0xFFFFFFA0];
	p2 =	slt.u32 s2, $0xF8;
	[tilespmem:s31+$0xFFFFFFF0] =	vst v3  }
0x231: {  	v3 =	vld [tilespmem:s0+$0xFFFFFFB0];
	[tilespmem:s31+$0x0] =	vst v0  }
0x232: {  	v0 =	vld [tilespmem:s0+$0xFFFFFFC0];
	[tilespmem:s31+$0x10] =	vst v1  }
0x233: {  	v1 =	vld [tilespmem:s0+$0xFFFFFFD0];
	[tilespmem:s31+$0x20] =	vst v2  }
0x234: {  	v2 =	vld [tilespmem:s0+$0xFFFFFFE0];
	[tilespmem:s31+$0xFFFFFFC0] =	vst v4  }
0x235: {  	v4 =	vld [tilespmem:s0+$0xFFFFFFF0]  }
0x236: {  	v7 =	vld [tilespmem:s0+$0xFFFFFF90]  }
0x237: {  	v6 =	vld.idx.msk [tilespmem:v6+s4+$0x0], $0xffff  }
0x238: {  	v8 =	vld.idx.msk [tilespmem:v5+s4+$0x0], $0xffff  }
0x239: {  	v5 =	vld.idx.msk [tilespmem:v3+s4+$0x0], $0xffff  }
.Ltmp16:
0x23a: {  	v3 =	vld.idx.msk [tilespmem:v0+s4+$0x0], $0xffff;
	(pc) =	sbr.rel @p2 .LBB2_29-.Ltmp16, $4  }
0x23b: {  	v0 =	vld.idx.msk [tilespmem:v1+s4+$0x0], $0xffff  }
0x23c: {  	s31 =	sadd.s32 $0x80, s31;
	v1 =	vld.idx.msk [tilespmem:v2+s4+$0x0], $0xffff  }
0x23d: {  	v2 =	vld.idx.msk [tilespmem:v4+s4+$0x0], $0xffff;
	[tilespmem:s31+$0x30] =	vst v6  }
0x23e: {  	s0 =	sadd.s32 $0x80, s0;
	v4 =	vld.idx.msk [tilespmem:v7+s4+$0x0], $0xffff;
	[tilespmem:s31+$0xFFFFFFD0] =	vst v8  }
0x23f: {  	[tilespmem:s31+$0xFFFFFFE0] =	vst v5;
	s29 =	sadd.s32 $0x1, s29  }
0x240: {  	[tilespmem:s31+$0xFFFFFFF0] =	vst v3;
	p2 =	sne.s32 s29, $0xD  }
.Ltmp17:
0x241: {  	[tilespmem:s31+$0x0] =	vst v0;
	(pc) =	sbr.rel @p2 .LBB2_22-.Ltmp17, $4  }
.Ltmp18:
0x242: {  	[tilespmem:s31+$0x10] =	vst v1;
	(pc) =	sbr.rel @!p2 .LBB2_31-.Ltmp18, $4  }
0x243: {  	[tilespmem:s31+$0x20] =	vst v2  }
0x244: {  	s0 =	sadd.s32 s30, s11;
	[tilespmem:s31+$0xFFFFFFC0] =	vst v4  }
0x245: {  	[hbm4b:s0+s19] =	stream.strided.scatter [tilespmem:s25], [sflag:$0x3], $0x1000, s20, s19, $0x38;
	[tilespmem:$0x1E700] =	vst v63  }
0x246: {  	_ = 	snop  }
.LBB2_32:
0x247: {  	_ =	sfence.sel $0x180000  }
0x248: {  	[bflag:$0x0] =	sbarrier.arrive $0xFFFF  }
0x249: {  	_ =	strace $0x90000047  }
0x24a: {  	s0 =	stileid.u32;
	[bflag:$0x2] =	sbarrier.arrive $0xFFFF  }
0x24b: {  	p0 =	sne.s32 s0, $0x0;
	s0 =	rddreg [dreg:$0x2]  }
0x24c: {  	s0 =	sadd.s32 @!p0 $0x100000, s0  }
0x24d: {  	[sflag:s0] =	ssyncadd.tile.s32 @!p0 $0x1;
	_ =	shalt  }
.Lfunc_end2:
_tile_overlayer_lowered:
.L_overlay_start_2:
0x24e: {  	(tag) =	ssettag $0x2  }
0x24f: {  	s0 =	rddreg [dreg:$0x0];
	s2 =	stileid.u32  }
0x250: {  	s1 =	rddreg [dreg:$0x1];
	p0 =	sne.s32 s2, $0x0  }
0x251: {  	s3 =	rddreg [dreg:$0x2];
	[bflag:$0x3] =	sbarrier.arrive $0xFFFF;
	s2 =	simm.s32 @!p0 $0x1C04  }
0x252: {  	[timem:s3], [sflag:s2] =	dma.local @!p0 [hbm:s0], s1  }
0x253: {  	s0 =	simm.s32 @!p0 $0x4  }
0x254: {  	_ =	swait.ge @!p0 [sflag:s0], s1  }
0x255: {  	s1 =	ssub.s32 @!p0 $0x0, s1;
	[sflag:s0] =	ssyncset.done @!p0 $0x0  }
0x256: {  	[sflag:s0] =	ssyncadd.s32 @!p0 s1  }
0x257: {  	[bflag:$0x3] =	sbarrier.arrive $0xFFFF  }
0x258: {  	_ =	shalt  }

</sc_bundles>
